<compile_context>
chip_gen: v7x
topology: tpu7x:2x2x1
jax: 0.10.2.dev20260603
libtpu: 0.0.44.dev20260713+nightly
codegen_flags: <defaults>
</compile_context>

<pallas_src>
import jax
import jax.numpy as jnp
from jax import lax
from jax.experimental import pallas as pl
from jax.experimental.pallas import tpu as pltpu
from jax.experimental.pallas import tpu_sc as plsc

V = 10000
WEIGHT = 0.1
NC, NS, L = 2, 16, 16
NW = NC * NS
EPW = 1920
E_PAD = NW * EPW
T_SIZE = V * V + V + 8
DUMMY = V
ACC_ROWS = 10112
ACC_F = 4 * ACC_ROWS
VPAD = 10016


def _fill_keys(rows_v, cols_v, keys_v):

    @pl.loop(0, EPW // L)
    def _(i):
        sl = pl.ds(i * L, L)
        r = rows_v[sl]
        c = cols_v[sl]
        keys_v[sl] = jnp.minimum(r, c) * V + jnp.maximum(r, c)


def _k1_body(rows_hbm, cols_hbm, t_hbm, rows_v, cols_v, keys_v, eid_v,
             sem, sem2):
    wid = lax.axis_index("s") * NC + lax.axis_index("c")
    in1 = pltpu.async_copy(rows_hbm.at[wid], rows_v, sem)
    in2 = pltpu.async_copy(cols_hbm.at[wid], cols_v, sem2)
    base = wid * EPW
    iota = lax.iota(jnp.int32, L)

    @pl.loop(0, EPW // L)
    def _(i):
        eid_v[pl.ds(i * L, L)] = base + i * L + iota

    in1.wait()
    in2.wait()
    _fill_keys(rows_v, cols_v, keys_v)
    pltpu.async_copy(eid_v, t_hbm.at[keys_v], sem).wait()


def _k2_body(rows_hbm, cols_hbm, t_hbm, verts_hbm, zeros_hbm, out_hbm,
             rows_v, cols_v, keys_v, w_v, verts_v, acc_v, sem):
    wid = lax.axis_index("s") * NC + lax.axis_index("c")
    pltpu.sync_copy(rows_hbm.at[wid], rows_v)
    pltpu.sync_copy(cols_hbm.at[wid], cols_v)

    _fill_keys(rows_v, cols_v, keys_v)
    gather = pltpu.async_copy(t_hbm.at[keys_v], w_v, sem)
    pltpu.sync_copy(verts_hbm, verts_v)
    pltpu.sync_copy(zeros_hbm, acc_v)
    gather.wait()

    base = wid * EPW
    iota = lax.iota(jnp.int32, L)
    ones = jnp.ones((L,), jnp.float32)

    @pl.loop(0, EPW // L)
    def _(i):
        sl = pl.ds(i * L, L)
        r = rows_v[sl]
        c = cols_v[sl]
        w = w_v[sl]
        eid = base + i * L + iota
        canonical = w == eid
        rr = jnp.where(canonical, r, DUMMY)
        cc = jnp.where(canonical & (r != c), c, DUMMY)
        for k in range(3):
            kf = jnp.full((L,), k, jnp.int32)
            vc = plsc.load_gather(verts_v, [kf, c])
            plsc.addupdate_scatter(acc_v, [rr + k * ACC_ROWS], vc)
            vr = plsc.load_gather(verts_v, [kf, r])
            plsc.addupdate_scatter(acc_v, [cc + k * ACC_ROWS], vr)
        plsc.addupdate_scatter(acc_v, [rr + 3 * ACC_ROWS], ones)
        plsc.addupdate_scatter(acc_v, [cc + 3 * ACC_ROWS], ones)

    pltpu.sync_copy(acc_v, out_hbm.at[wid])


def _k3_body(partials_ref, verts_ref, out_ref):
    a = jnp.sum(partials_ref[...], axis=0, keepdims=True)
    deg = a[:, 3 * ACC_ROWS:4 * ACC_ROWS]
    valid = lax.broadcasted_iota(jnp.int32, (1, ACC_ROWS), 1) < V
    total = jnp.zeros((), jnp.float32)
    for k in range(3):
        s = a[:, k * ACC_ROWS:(k + 1) * ACC_ROWS]
        vk = verts_ref[k:k + 1, :]
        r = jnp.where(valid, deg * vk - s, 0.0)
        total = total + jnp.sum(r * r)
    out_ref[...] = jnp.full((1, 1), (WEIGHT / V) * total, jnp.float32)


@jax.jit
def kernel(vertices, faces):
    src_sel = jnp.array([0, 0, 1])
    dst_sel = jnp.array([1, 2, 2])
    rows = faces[:, src_sel].reshape(-1).astype(jnp.int32)
    cols = faces[:, dst_sel].reshape(-1).astype(jnp.int32)
    e = rows.shape[0]
    rows2 = jnp.full((E_PAD,), V, jnp.int32).at[:e].set(rows).reshape(NW, EPW)
    cols2 = jnp.full((E_PAD,), V, jnp.int32).at[:e].set(cols).reshape(NW, EPW)
    verts = vertices[0].astype(jnp.float32)
    verts_t = jnp.zeros((3, VPAD), jnp.float32).at[:, :V].set(verts.T)
    verts_t3 = jnp.zeros((3, ACC_ROWS), jnp.float32).at[:, :V].set(verts.T)
    acc_zeros = jnp.zeros((ACC_F,), jnp.float32)

    mesh = plsc.VectorSubcoreMesh(core_axis_name="c", subcore_axis_name="s")
    sc_params = pltpu.CompilerParams(
        use_tc_tiling_on_sc=False, needs_layout_passes=False)

    k1 = pl.kernel(
        _k1_body,
        out_type=jax.ShapeDtypeStruct((T_SIZE,), jnp.int32),
        mesh=mesh,
        compiler_params=sc_params,
        scratch_types=[
            pltpu.VMEM((EPW,), jnp.int32),
            pltpu.VMEM((EPW,), jnp.int32),
            pltpu.VMEM((EPW,), jnp.int32),
            pltpu.VMEM((EPW,), jnp.int32),
            pltpu.SemaphoreType.DMA,
            pltpu.SemaphoreType.DMA,
        ],
    )
    table = k1(rows2, cols2)

    k2 = pl.kernel(
        _k2_body,
        out_type=jax.ShapeDtypeStruct((NW, ACC_F), jnp.float32),
        mesh=mesh,
        compiler_params=sc_params,
        scratch_types=[
            pltpu.VMEM((EPW,), jnp.int32),
            pltpu.VMEM((EPW,), jnp.int32),
            pltpu.VMEM((EPW,), jnp.int32),
            pltpu.VMEM((EPW,), jnp.int32),
            pltpu.VMEM((3, VPAD), jnp.float32),
            pltpu.VMEM((ACC_F,), jnp.float32),
            pltpu.SemaphoreType.DMA,
        ],
    )
    partials = k2(rows2, cols2, table, verts_t, acc_zeros)

    out = pl.pallas_call(
        _k3_body,
        out_shape=jax.ShapeDtypeStruct((1, 1), jnp.float32),
    )(partials, verts_t3)
    return out[0, 0]

# --- scband reference (transcript-rebuilt; emitter-appended) ---
"""Pipeline reference for scband-laplacian-smooth-loss-31928786878950 (READ-ONLY COPY).

The authoritative reference and input builder live on the scoring server;
editing this copy changes nothing except your own understanding.
"""

import jax, jax.numpy as jnp
import numpy as np

V = 10000
F_FACES = 20000
WEIGHT = 0.1


def setup_inputs(seed: int = 0) -> dict:
    key = jax.random.key(seed)
    k1, k2 = jax.random.split(key)
    vertices = jax.random.normal(k1, (1, V, 3), dtype=jnp.float32)
    faces = jax.random.randint(k2, (F_FACES, 3), 0, V, dtype=jnp.int32)
    return {"vertices": vertices, "faces": faces}


def reference(vertices, faces):
    # Vectorized equivalent of the per-face double loop: for each face,
    # set adjacency[face[i], face[j]] = 1 for all i != j (6 ordered pairs).
    src_sel = jnp.array([0, 0, 1, 1, 2, 2])
    dst_sel = jnp.array([1, 2, 0, 2, 0, 1])
    rows = faces[:, src_sel].reshape(-1)
    cols = faces[:, dst_sel].reshape(-1)
    adjacency = jnp.zeros((V, V), dtype=jnp.float32).at[rows, cols].set(1.0)
    degree = adjacency.sum(axis=1)
    laplacian = jnp.diag(degree) - adjacency
    laplacian_coords = laplacian @ vertices[0]  # squeeze(0): (V, 3)
    loss = (laplacian_coords ** 2).sum(axis=1).mean()
    return WEIGHT * loss

if __name__ == "__main__":
    import jax
    _d = setup_inputs()
    print(jax.jit(kernel)(*tuple(_d.values())))

</pallas_src>

<mosaic_0001>
#map = affine_map<(d0, d1) -> (0, 0)>
#map1 = affine_map<(d0, d1) -> (0)>
module attributes {stable_mosaic.version = 14 : i64} {
  func.func @_k1_body(%arg0: i32, %arg1: i32, %arg2: memref<32x1920xi32, #tpu.memory_space<hbm>>, %arg3: memref<32x1920xi32, #tpu.memory_space<hbm>>, %arg4: memref<100010008xi32, #tpu.memory_space<hbm>>, %arg5: memref<1920xi32, #tpu.memory_space<vmem>>, %arg6: memref<1920xi32, #tpu.memory_space<vmem>>, %arg7: memref<1920xi32, #tpu.memory_space<vmem>>, %arg8: memref<1920xi32, #tpu.memory_space<vmem>>, %arg9: memref<!tpu.dma_semaphore, #tpu.memory_space<semaphore_mem>>, %arg10: memref<!tpu.dma_semaphore, #tpu.memory_space<semaphore_mem>>) attributes {dimension_semantics = [#tpu.dimension_semantics<core_parallel>, #tpu.dimension_semantics<subcore_parallel>], iteration_bounds = array<i64: 2, 16>, scalar_prefetch = 0 : i64, scratch_operands = 6 : i64, tpu.core_type = #tpu.core_type<sc_vector_subcore>, window_params = [{transform_indices = #map}, {transform_indices = #map}, {transform_indices = #map1}]} {
    %mul3A = arith.constant 2 : i32
    %mul3A_0 = arith.muli %arg1, %mul3A : i32
    %add3A = arith.addi %mul3A_0, %arg0 : i32
    %dma_start3A = arith.constant 0 : i32
    %dma_start3A_1 = tpu.memref_slice %arg2[%add3A, %dma_start3A] : memref<32x1920xi32, #tpu.memory_space<hbm>> -> memref<1x1920xi32, #tpu.memory_space<hbm>>
    %dma_start3A_2 = tpu.memref_squeeze %dma_start3A_1 : memref<1x1920xi32, #tpu.memory_space<hbm>> -> memref<1920xi32, #tpu.memory_space<hbm>>
    %dma_start3A_3 = arith.constant 0 : i32
    %dma_start3A_4 = tpu.memref_slice %arg2[%add3A, %dma_start3A_3] : memref<32x1920xi32, #tpu.memory_space<hbm>> -> memref<1x1920xi32, #tpu.memory_space<hbm>>
    %dma_start3A_5 = tpu.memref_squeeze %dma_start3A_4 : memref<1x1920xi32, #tpu.memory_space<hbm>> -> memref<1920xi32, #tpu.memory_space<hbm>>
    tpu.enqueue_dma source(%dma_start3A_5 : memref<1920xi32, #tpu.memory_space<hbm>>) target(%arg5 : memref<1920xi32, #tpu.memory_space<vmem>>) target_semaphore(%arg9 : memref<!tpu.dma_semaphore, #tpu.memory_space<semaphore_mem>>)
    %dma_start3A_6 = arith.constant 0 : i32
    %dma_start3A_7 = tpu.memref_slice %arg3[%add3A, %dma_start3A_6] : memref<32x1920xi32, #tpu.memory_space<hbm>> -> memref<1x1920xi32, #tpu.memory_space<hbm>>
    %dma_start3A_8 = tpu.memref_squeeze %dma_start3A_7 : memref<1x1920xi32, #tpu.memory_space<hbm>> -> memref<1920xi32, #tpu.memory_space<hbm>>
    %dma_start3A_9 = arith.constant 0 : i32
    %dma_start3A_10 = tpu.memref_slice %arg3[%add3A, %dma_start3A_9] : memref<32x1920xi32, #tpu.memory_space<hbm>> -> memref<1x1920xi32, #tpu.memory_space<hbm>>
    %dma_start3A_11 = tpu.memref_squeeze %dma_start3A_10 : memref<1x1920xi32, #tpu.memory_space<hbm>> -> memref<1920xi32, #tpu.memory_space<hbm>>
    tpu.enqueue_dma source(%dma_start3A_11 : memref<1920xi32, #tpu.memory_space<hbm>>) target(%arg6 : memref<1920xi32, #tpu.memory_space<vmem>>) target_semaphore(%arg10 : memref<!tpu.dma_semaphore, #tpu.memory_space<semaphore_mem>>)
    %mul3A_12 = arith.constant 1920 : i32
    %mul3A_13 = arith.muli %add3A, %mul3A_12 : i32
    %iota3A = tpu.iota {dimensions = array<i32: 0>} : vector<16xi32>
    %scan3A = arith.constant 0 : i32
    %scan3A_14 = arith.constant 120 : i32
    %scan3A_15 = arith.addi %scan3A, %scan3A_14 : i32
    %scan3A_16 = arith.constant 1 : i32
    scf.for %scan3A_38 = %scan3A to %scan3A_15 step %scan3A_16  : i32 {
      %mul3A_39 = arith.constant 1 : i32
      %mul3A_40 = arith.muli %scan3A_38, %mul3A_39 : i32
      %add3A_41 = arith.constant 0 : i32
      %add3A_42 = arith.addi %add3A_41, %mul3A_40 : i32
      %mul3A_43 = arith.constant 16 : i32
      %mul3A_44 = arith.muli %add3A_42, %mul3A_43 : i32
      %add3A_45 = arith.addi %mul3A_13, %mul3A_44 : i32
      %add3A_46 = vector.broadcast %add3A_45 : i32 to vector<16xi32>
      %add3A_47 = arith.addi %add3A_46, %iota3A : vector<16xi32>
      %mul3A_48 = arith.constant 16 : i32
      %mul3A_49 = arith.muli %add3A_42, %mul3A_48 : i32
      %swap3A = arith.index_cast %mul3A_49 : i32 to index
      %swap3A_50 = tpu.vector_load %arg8[%swap3A] {strides = array<i32>} : memref<1920xi32, #tpu.memory_space<vmem>>, vector<16xi32>,
      tpu.vector_store %arg8[%swap3A], %add3A_47 {strides = array<i32>} : memref<1920xi32, #tpu.memory_space<vmem>>, vector<16xi32>,
    }
    %scan3A_17 = arith.constant 120 : i32
    %dma_wait3A = arith.constant 0 : i32
    %dma_wait3A_18 = tpu.memref_slice %arg2[%add3A, %dma_wait3A] : memref<32x1920xi32, #tpu.memory_space<hbm>> -> memref<1x1920xi32, #tpu.memory_space<hbm>>
    %dma_wait3A_19 = tpu.memref_squeeze %dma_wait3A_18 : memref<1x1920xi32, #tpu.memory_space<hbm>> -> memref<1920xi32, #tpu.memory_space<hbm>>
    %dma_wait3A_20 = arith.constant 0 : i32
    %dma_wait3A_21 = tpu.memref_slice %arg2[%add3A, %dma_wait3A_20] : memref<32x1920xi32, #tpu.memory_space<hbm>> -> memref<1x1920xi32, #tpu.memory_space<hbm>>
    %dma_wait3A_22 = tpu.memref_squeeze %dma_wait3A_21 : memref<1x1920xi32, #tpu.memory_space<hbm>> -> memref<1920xi32, #tpu.memory_space<hbm>>
    tpu.wait_dma2 semaphore(%arg9 : memref<!tpu.dma_semaphore, #tpu.memory_space<semaphore_mem>>) src(%dma_wait3A_22 : memref<1920xi32, #tpu.memory_space<hbm>>) dst(%arg5 : memref<1920xi32, #tpu.memory_space<vmem>>)
    %dma_wait3A_23 = arith.constant 0 : i32
    %dma_wait3A_24 = tpu.memref_slice %arg3[%add3A, %dma_wait3A_23] : memref<32x1920xi32, #tpu.memory_space<hbm>> -> memref<1x1920xi32, #tpu.memory_space<hbm>>
    %dma_wait3A_25 = tpu.memref_squeeze %dma_wait3A_24 : memref<1x1920xi32, #tpu.memory_space<hbm>> -> memref<1920xi32, #tpu.memory_space<hbm>>
    %dma_wait3A_26 = arith.constant 0 : i32
    %dma_wait3A_27 = tpu.memref_slice %arg3[%add3A, %dma_wait3A_26] : memref<32x1920xi32, #tpu.memory_space<hbm>> -> memref<1x1920xi32, #tpu.memory_space<hbm>>
    %dma_wait3A_28 = tpu.memref_squeeze %dma_wait3A_27 : memref<1x1920xi32, #tpu.memory_space<hbm>> -> memref<1920xi32, #tpu.memory_space<hbm>>
    tpu.wait_dma2 semaphore(%arg10 : memref<!tpu.dma_semaphore, #tpu.memory_space<semaphore_mem>>) src(%dma_wait3A_28 : memref<1920xi32, #tpu.memory_space<hbm>>) dst(%arg6 : memref<1920xi32, #tpu.memory_space<vmem>>)
    %scan3A_29 = arith.constant 0 : i32
    %scan3A_30 = arith.constant 120 : i32
    %scan3A_31 = arith.addi %scan3A_29, %scan3A_30 : i32
    %scan3A_32 = arith.constant 1 : i32
    scf.for %scan3A_38 = %scan3A_29 to %scan3A_31 step %scan3A_32  : i32 {
      %mul3A_39 = arith.constant 1 : i32
      %mul3A_40 = arith.muli %scan3A_38, %mul3A_39 : i32
      %add3A_41 = arith.constant 0 : i32
      %add3A_42 = arith.addi %add3A_41, %mul3A_40 : i32
      %mul3A_43 = arith.constant 16 : i32
      %mul3A_44 = arith.muli %add3A_42, %mul3A_43 : i32
      %get3A = arith.index_cast %mul3A_44 : i32 to index
      %get3A_45 = tpu.vector_load %arg5[%get3A] {strides = array<i32>} : memref<1920xi32, #tpu.memory_space<vmem>>, vector<16xi32>,
      %get3A_46 = arith.index_cast %mul3A_44 : i32 to index
      %get3A_47 = tpu.vector_load %arg6[%get3A_46] {strides = array<i32>} : memref<1920xi32, #tpu.memory_space<vmem>>, vector<16xi32>,
      %min3A = arith.minsi %get3A_45, %get3A_47 : vector<16xi32>
      %mul3A_48 = arith.constant 10000 : i32
      %mul3A_49 = vector.broadcast %mul3A_48 : i32 to vector<16xi32>
      %mul3A_50 = arith.muli %min3A, %mul3A_49 : vector<16xi32>
      %max3A = arith.maxsi %get3A_45, %get3A_47 : vector<16xi32>
      %add3A_51 = arith.addi %mul3A_50, %max3A : vector<16xi32>
      %swap3A = arith.index_cast %mul3A_44 : i32 to index
      %swap3A_52 = tpu.vector_load %arg7[%swap3A] {strides = array<i32>} : memref<1920xi32, #tpu.memory_space<vmem>>, vector<16xi32>,
      tpu.vector_store %arg7[%swap3A], %add3A_51 {strides = array<i32>} : memref<1920xi32, #tpu.memory_space<vmem>>, vector<16xi32>,
    }
    %scan3A_33 = arith.constant 120 : i32
    %dma_start3A_34 = arith.constant 0 : i32
    %dma_start3A_35 = tpu.memref_slice %arg4[%dma_start3A_34] : memref<100010008xi32, #tpu.memory_space<hbm>> -> memref<100010008xi32, #tpu.memory_space<hbm>>
    tpu.enqueue_indirect_dma source(%arg8 : memref<1920xi32, #tpu.memory_space<vmem>>) target(%dma_start3A_35 : memref<100010008xi32, #tpu.memory_space<hbm>>) offsets(%arg7 : memref<1920xi32, #tpu.memory_space<vmem>>) semaphore(%arg9 : memref<!tpu.dma_semaphore, #tpu.memory_space<semaphore_mem>>)
    %dma_wait3A_36 = arith.constant 0 : i32
    %dma_wait3A_37 = tpu.memref_slice %arg4[%dma_wait3A_36] : memref<100010008xi32, #tpu.memory_space<hbm>> -> memref<100010008xi32, #tpu.memory_space<hbm>>
    tpu.wait_indirect_dma semaphore(%arg9 : memref<!tpu.dma_semaphore, #tpu.memory_space<semaphore_mem>>) src(%arg8 : memref<1920xi32, #tpu.memory_space<vmem>>) dst(%dma_wait3A_37 : memref<100010008xi32, #tpu.memory_space<hbm>>)
    return
  }
}

#map = affine_map<(d0, d1) -> (0, 0)>
#map1 = affine_map<(d0, d1) -> (0)>
module attributes {stable_mosaic.version = 14 : i64} {
  func.func @_k2_body(%arg0: i32, %arg1: i32, %arg2: memref<32x1920xi32, #tpu.memory_space<hbm>>, %arg3: memref<32x1920xi32, #tpu.memory_space<hbm>>, %arg4: memref<100010008xi32, #tpu.memory_space<hbm>>, %arg5: memref<3x10016xf32, #tpu.memory_space<hbm>>, %arg6: memref<40448xf32, #tpu.memory_space<hbm>>, %arg7: memref<32x40448xf32, #tpu.memory_space<hbm>>, %arg8: memref<1920xi32, #tpu.memory_space<vmem>>, %arg9: memref<1920xi32, #tpu.memory_space<vmem>>, %arg10: memref<1920xi32, #tpu.memory_space<vmem>>, %arg11: memref<1920xi32, #tpu.memory_space<vmem>>, %arg12: memref<3x10016xf32, #tpu.memory_space<vmem>>, %arg13: memref<40448xf32, #tpu.memory_space<vmem>>, %arg14: memref<!tpu.dma_semaphore, #tpu.memory_space<semaphore_mem>>) attributes {dimension_semantics = [#tpu.dimension_semantics<core_parallel>, #tpu.dimension_semantics<subcore_parallel>], iteration_bounds = array<i64: 2, 16>, scalar_prefetch = 0 : i64, scratch_operands = 7 : i64, tpu.core_type = #tpu.core_type<sc_vector_subcore>, window_params = [{transform_indices = #map}, {transform_indices = #map}, {transform_indices = #map1}, {transform_indices = #map}, {transform_indices = #map1}, {transform_indices = #map}]} {
    %mul3A = arith.constant 2 : i32
    %mul3A_0 = arith.muli %arg1, %mul3A : i32
    %add3A = arith.addi %mul3A_0, %arg0 : i32
    "tpu.region"() ({
      %run_scoped3A = tpu.sem_alloc : memref<!tpu.dma_semaphore, #tpu.memory_space<semaphore_mem>>
      %dma_start3A_15 = arith.constant 0 : i32
      %dma_start3A_16 = tpu.memref_slice %arg2[%add3A, %dma_start3A_15] : memref<32x1920xi32, #tpu.memory_space<hbm>> -> memref<1x1920xi32, #tpu.memory_space<hbm>>
      %dma_start3A_17 = tpu.memref_squeeze %dma_start3A_16 : memref<1x1920xi32, #tpu.memory_space<hbm>> -> memref<1920xi32, #tpu.memory_space<hbm>>
      %dma_start3A_18 = arith.constant 0 : i32
      %dma_start3A_19 = tpu.memref_slice %arg2[%add3A, %dma_start3A_18] : memref<32x1920xi32, #tpu.memory_space<hbm>> -> memref<1x1920xi32, #tpu.memory_space<hbm>>
      %dma_start3A_20 = tpu.memref_squeeze %dma_start3A_19 : memref<1x1920xi32, #tpu.memory_space<hbm>> -> memref<1920xi32, #tpu.memory_space<hbm>>
      tpu.enqueue_dma source(%dma_start3A_20 : memref<1920xi32, #tpu.memory_space<hbm>>) target(%arg8 : memref<1920xi32, #tpu.memory_space<vmem>>) target_semaphore(%run_scoped3A : memref<!tpu.dma_semaphore, #tpu.memory_space<semaphore_mem>>)
      %dma_wait3A_21 = arith.constant 0 : i32
      %dma_wait3A_22 = tpu.memref_slice %arg2[%add3A, %dma_wait3A_21] : memref<32x1920xi32, #tpu.memory_space<hbm>> -> memref<1x1920xi32, #tpu.memory_space<hbm>>
      %dma_wait3A_23 = tpu.memref_squeeze %dma_wait3A_22 : memref<1x1920xi32, #tpu.memory_space<hbm>> -> memref<1920xi32, #tpu.memory_space<hbm>>
      %dma_wait3A_24 = arith.constant 0 : i32
      %dma_wait3A_25 = tpu.memref_slice %arg2[%add3A, %dma_wait3A_24] : memref<32x1920xi32, #tpu.memory_space<hbm>> -> memref<1x1920xi32, #tpu.memory_space<hbm>>
      %dma_wait3A_26 = tpu.memref_squeeze %dma_wait3A_25 : memref<1x1920xi32, #tpu.memory_space<hbm>> -> memref<1920xi32, #tpu.memory_space<hbm>>
      tpu.wait_dma2 semaphore(%run_scoped3A : memref<!tpu.dma_semaphore, #tpu.memory_space<semaphore_mem>>) src(%dma_wait3A_26 : memref<1920xi32, #tpu.memory_space<hbm>>) dst(%arg8 : memref<1920xi32, #tpu.memory_space<vmem>>)
      tpu.yield
    }) : () -> ()
    "tpu.region"() ({
      %run_scoped3A = tpu.sem_alloc : memref<!tpu.dma_semaphore, #tpu.memory_space<semaphore_mem>>
      %dma_start3A_15 = arith.constant 0 : i32
      %dma_start3A_16 = tpu.memref_slice %arg3[%add3A, %dma_start3A_15] : memref<32x1920xi32, #tpu.memory_space<hbm>> -> memref<1x1920xi32, #tpu.memory_space<hbm>>
      %dma_start3A_17 = tpu.memref_squeeze %dma_start3A_16 : memref<1x1920xi32, #tpu.memory_space<hbm>> -> memref<1920xi32, #tpu.memory_space<hbm>>
      %dma_start3A_18 = arith.constant 0 : i32
      %dma_start3A_19 = tpu.memref_slice %arg3[%add3A, %dma_start3A_18] : memref<32x1920xi32, #tpu.memory_space<hbm>> -> memref<1x1920xi32, #tpu.memory_space<hbm>>
      %dma_start3A_20 = tpu.memref_squeeze %dma_start3A_19 : memref<1x1920xi32, #tpu.memory_space<hbm>> -> memref<1920xi32, #tpu.memory_space<hbm>>
      tpu.enqueue_dma source(%dma_start3A_20 : memref<1920xi32, #tpu.memory_space<hbm>>) target(%arg9 : memref<1920xi32, #tpu.memory_space<vmem>>) target_semaphore(%run_scoped3A : memref<!tpu.dma_semaphore, #tpu.memory_space<semaphore_mem>>)
      %dma_wait3A_21 = arith.constant 0 : i32
      %dma_wait3A_22 = tpu.memref_slice %arg3[%add3A, %dma_wait3A_21] : memref<32x1920xi32, #tpu.memory_space<hbm>> -> memref<1x1920xi32, #tpu.memory_space<hbm>>
      %dma_wait3A_23 = tpu.memref_squeeze %dma_wait3A_22 : memref<1x1920xi32, #tpu.memory_space<hbm>> -> memref<1920xi32, #tpu.memory_space<hbm>>
      %dma_wait3A_24 = arith.constant 0 : i32
      %dma_wait3A_25 = tpu.memref_slice %arg3[%add3A, %dma_wait3A_24] : memref<32x1920xi32, #tpu.memory_space<hbm>> -> memref<1x1920xi32, #tpu.memory_space<hbm>>
      %dma_wait3A_26 = tpu.memref_squeeze %dma_wait3A_25 : memref<1x1920xi32, #tpu.memory_space<hbm>> -> memref<1920xi32, #tpu.memory_space<hbm>>
      tpu.wait_dma2 semaphore(%run_scoped3A : memref<!tpu.dma_semaphore, #tpu.memory_space<semaphore_mem>>) src(%dma_wait3A_26 : memref<1920xi32, #tpu.memory_space<hbm>>) dst(%arg9 : memref<1920xi32, #tpu.memory_space<vmem>>)
      tpu.yield
    }) : () -> ()
    %scan3A = arith.constant 0 : i32
    %scan3A_1 = arith.constant 120 : i32
    %scan3A_2 = arith.addi %scan3A, %scan3A_1 : i32
    %scan3A_3 = arith.constant 1 : i32
    scf.for %scan3A_15 = %scan3A to %scan3A_2 step %scan3A_3  : i32 {
      %mul3A_16 = arith.constant 1 : i32
      %mul3A_17 = arith.muli %scan3A_15, %mul3A_16 : i32
      %add3A_18 = arith.constant 0 : i32
      %add3A_19 = arith.addi %add3A_18, %mul3A_17 : i32
      %mul3A_20 = arith.constant 16 : i32
      %mul3A_21 = arith.muli %add3A_19, %mul3A_20 : i32
      %get3A = arith.index_cast %mul3A_21 : i32 to index
      %get3A_22 = tpu.vector_load %arg8[%get3A] {strides = array<i32>} : memref<1920xi32, #tpu.memory_space<vmem>>, vector<16xi32>,
      %get3A_23 = arith.index_cast %mul3A_21 : i32 to index
      %get3A_24 = tpu.vector_load %arg9[%get3A_23] {strides = array<i32>} : memref<1920xi32, #tpu.memory_space<vmem>>, vector<16xi32>,
      %min3A = arith.minsi %get3A_22, %get3A_24 : vector<16xi32>
      %mul3A_25 = arith.constant 10000 : i32
      %mul3A_26 = vector.broadcast %mul3A_25 : i32 to vector<16xi32>
      %mul3A_27 = arith.muli %min3A, %mul3A_26 : vector<16xi32>
      %max3A = arith.maxsi %get3A_22, %get3A_24 : vector<16xi32>
      %add3A_28 = arith.addi %mul3A_27, %max3A : vector<16xi32>
      %swap3A = arith.index_cast %mul3A_21 : i32 to index
      %swap3A_29 = tpu.vector_load %arg10[%swap3A] {strides = array<i32>} : memref<1920xi32, #tpu.memory_space<vmem>>, vector<16xi32>,
      tpu.vector_store %arg10[%swap3A], %add3A_28 {strides = array<i32>} : memref<1920xi32, #tpu.memory_space<vmem>>, vector<16xi32>,
    }
    %scan3A_4 = arith.constant 120 : i32
    %dma_start3A = arith.constant 0 : i32
    %dma_start3A_5 = tpu.memref_slice %arg4[%dma_start3A] : memref<100010008xi32, #tpu.memory_space<hbm>> -> memref<100010008xi32, #tpu.memory_space<hbm>>
    tpu.enqueue_indirect_dma source(%dma_start3A_5 : memref<100010008xi32, #tpu.memory_space<hbm>>) target(%arg11 : memref<1920xi32, #tpu.memory_space<vmem>>) offsets(%arg10 : memref<1920xi32, #tpu.memory_space<vmem>>) semaphore(%arg14 : memref<!tpu.dma_semaphore, #tpu.memory_space<semaphore_mem>>)
    "tpu.region"() ({
      %run_scoped3A = tpu.sem_alloc : memref<!tpu.dma_semaphore, #tpu.memory_space<semaphore_mem>>
      tpu.enqueue_dma source(%arg5 : memref<3x10016xf32, #tpu.memory_space<hbm>>) target(%arg12 : memref<3x10016xf32, #tpu.memory_space<vmem>>) target_semaphore(%run_scoped3A : memref<!tpu.dma_semaphore, #tpu.memory_space<semaphore_mem>>)
      tpu.wait_dma2 semaphore(%run_scoped3A : memref<!tpu.dma_semaphore, #tpu.memory_space<semaphore_mem>>) src(%arg5 : memref<3x10016xf32, #tpu.memory_space<hbm>>) dst(%arg12 : memref<3x10016xf32, #tpu.memory_space<vmem>>)
      tpu.yield
    }) : () -> ()
    "tpu.region"() ({
      %run_scoped3A = tpu.sem_alloc : memref<!tpu.dma_semaphore, #tpu.memory_space<semaphore_mem>>
      tpu.enqueue_dma source(%arg6 : memref<40448xf32, #tpu.memory_space<hbm>>) target(%arg13 : memref<40448xf32, #tpu.memory_space<vmem>>) target_semaphore(%run_scoped3A : memref<!tpu.dma_semaphore, #tpu.memory_space<semaphore_mem>>)
      tpu.wait_dma2 semaphore(%run_scoped3A : memref<!tpu.dma_semaphore, #tpu.memory_space<semaphore_mem>>) src(%arg6 : memref<40448xf32, #tpu.memory_space<hbm>>) dst(%arg13 : memref<40448xf32, #tpu.memory_space<vmem>>)
      tpu.yield
    }) : () -> ()
    %dma_wait3A = arith.constant 0 : i32
    %dma_wait3A_6 = tpu.memref_slice %arg4[%dma_wait3A] : memref<100010008xi32, #tpu.memory_space<hbm>> -> memref<100010008xi32, #tpu.memory_space<hbm>>
    tpu.wait_indirect_dma semaphore(%arg14 : memref<!tpu.dma_semaphore, #tpu.memory_space<semaphore_mem>>) src(%dma_wait3A_6 : memref<100010008xi32, #tpu.memory_space<hbm>>) dst(%arg11 : memref<1920xi32, #tpu.memory_space<vmem>>)
    %mul3A_7 = arith.constant 1920 : i32
    %mul3A_8 = arith.muli %add3A, %mul3A_7 : i32
    %iota3A = tpu.iota {dimensions = array<i32: 0>} : vector<16xi32>
    %broadcast_in_dim3A = arith.constant 1.000000e+00 : f32
    %broadcast_in_dim3A_9 = vector.broadcast %broadcast_in_dim3A : f32 to vector<16xf32>
    %scan3A_10 = arith.constant 0 : i32
    %scan3A_11 = arith.constant 120 : i32
    %scan3A_12 = arith.addi %scan3A_10, %scan3A_11 : i32
    %scan3A_13 = arith.constant 1 : i32
    scf.for %scan3A_15 = %scan3A_10 to %scan3A_12 step %scan3A_13  : i32 {
      %mul3A_16 = arith.constant 1 : i32
      %mul3A_17 = arith.muli %scan3A_15, %mul3A_16 : i32
      %add3A_18 = arith.constant 0 : i32
      %add3A_19 = arith.addi %add3A_18, %mul3A_17 : i32
      %mul3A_20 = arith.constant 16 : i32
      %mul3A_21 = arith.muli %add3A_19, %mul3A_20 : i32
      %get3A = arith.index_cast %mul3A_21 : i32 to index
      %get3A_22 = tpu.vector_load %arg8[%get3A] {strides = array<i32>} : memref<1920xi32, #tpu.memory_space<vmem>>, vector<16xi32>,
      %get3A_23 = arith.index_cast %mul3A_21 : i32 to index
      %get3A_24 = tpu.vector_load %arg9[%get3A_23] {strides = array<i32>} : memref<1920xi32, #tpu.memory_space<vmem>>, vector<16xi32>,
      %get3A_25 = arith.index_cast %mul3A_21 : i32 to index
      %get3A_26 = tpu.vector_load %arg11[%get3A_25] {strides = array<i32>} : memref<1920xi32, #tpu.memory_space<vmem>>, vector<16xi32>,
      %mul3A_27 = arith.constant 16 : i32
      %mul3A_28 = arith.muli %add3A_19, %mul3A_27 : i32
      %add3A_29 = arith.addi %mul3A_8, %mul3A_28 : i32
      %add3A_30 = vector.broadcast %add3A_29 : i32 to vector<16xi32>
      %add3A_31 = arith.addi %add3A_30, %iota3A : vector<16xi32>
      %eq3A = arith.cmpi eq, %get3A_26, %add3A_31 : vector<16xi32>
      %jit3A = arith.constant 10000 : i32
      %broadcast_in_dim3A_32 = vector.broadcast %jit3A : i32 to vector<16xi32>
      %select_n3A = arith.select %eq3A, %get3A_22, %broadcast_in_dim3A_32 : vector<16xi1>, vector<16xi32>
      %ne3A = arith.cmpi ne, %get3A_22, %get3A_24 : vector<16xi32>
      %and3A = arith.andi %eq3A, %ne3A : vector<16xi1>
      %jit3A_33 = arith.constant 10000 : i32
      %broadcast_in_dim3A_34 = vector.broadcast %jit3A_33 : i32 to vector<16xi32>
      %select_n3A_35 = arith.select %and3A, %get3A_24, %broadcast_in_dim3A_34 : vector<16xi1>, vector<16xi32>
      %broadcast_in_dim3A_36 = arith.constant 0 : i32
      %broadcast_in_dim3A_37 = vector.broadcast %broadcast_in_dim3A_36 : i32 to vector<16xi32>
      %gather3A = tpu.vector_load_idx %arg12[%broadcast_in_dim3A_37, %get3A_24] : memref<3x10016xf32, #tpu.memory_space<vmem>>[vector<16xi32>, vector<16xi32>], vector<16xf32>,
      %add3A_38 = arith.constant 0 : i32
      %add3A_39 = vector.broadcast %add3A_38 : i32 to vector<16xi32>
      %add3A_40 = arith.addi %select_n3A, %add3A_39 : vector<16xi32>
      tpu.vector_store_idx %arg13[%add3A_40], %gather3A {add = true} : memref<40448xf32, #tpu.memory_space<vmem>>[vector<16xi32>], vector<16xf32>,
      %gather3A_41 = tpu.vector_load_idx %arg12[%broadcast_in_dim3A_37, %get3A_22] : memref<3x10016xf32, #tpu.memory_space<vmem>>[vector<16xi32>, vector<16xi32>], vector<16xf32>,
      %add3A_42 = arith.constant 0 : i32
      %add3A_43 = vector.broadcast %add3A_42 : i32 to vector<16xi32>
      %add3A_44 = arith.addi %select_n3A_35, %add3A_43 : vector<16xi32>
      tpu.vector_store_idx %arg13[%add3A_44], %gather3A_41 {add = true} : memref<40448xf32, #tpu.memory_space<vmem>>[vector<16xi32>], vector<16xf32>,
      %broadcast_in_dim3A_45 = arith.constant 1 : i32
      %broadcast_in_dim3A_46 = vector.broadcast %broadcast_in_dim3A_45 : i32 to vector<16xi32>
      %gather3A_47 = tpu.vector_load_idx %arg12[%broadcast_in_dim3A_46, %get3A_24] : memref<3x10016xf32, #tpu.memory_space<vmem>>[vector<16xi32>, vector<16xi32>], vector<16xf32>,
      %add3A_48 = arith.constant 10112 : i32
      %add3A_49 = vector.broadcast %add3A_48 : i32 to vector<16xi32>
      %add3A_50 = arith.addi %select_n3A, %add3A_49 : vector<16xi32>
      tpu.vector_store_idx %arg13[%add3A_50], %gather3A_47 {add = true} : memref<40448xf32, #tpu.memory_space<vmem>>[vector<16xi32>], vector<16xf32>,
      %gather3A_51 = tpu.vector_load_idx %arg12[%broadcast_in_dim3A_46, %get3A_22] : memref<3x10016xf32, #tpu.memory_space<vmem>>[vector<16xi32>, vector<16xi32>], vector<16xf32>,
      %add3A_52 = arith.constant 10112 : i32
      %add3A_53 = vector.broadcast %add3A_52 : i32 to vector<16xi32>
      %add3A_54 = arith.addi %select_n3A_35, %add3A_53 : vector<16xi32>
      tpu.vector_store_idx %arg13[%add3A_54], %gather3A_51 {add = true} : memref<40448xf32, #tpu.memory_space<vmem>>[vector<16xi32>], vector<16xf32>,
      %broadcast_in_dim3A_55 = arith.constant 2 : i32
      %broadcast_in_dim3A_56 = vector.broadcast %broadcast_in_dim3A_55 : i32 to vector<16xi32>
      %gather3A_57 = tpu.vector_load_idx %arg12[%broadcast_in_dim3A_56, %get3A_24] : memref<3x10016xf32, #tpu.memory_space<vmem>>[vector<16xi32>, vector<16xi32>], vector<16xf32>,
      %add3A_58 = arith.constant 20224 : i32
      %add3A_59 = vector.broadcast %add3A_58 : i32 to vector<16xi32>
      %add3A_60 = arith.addi %select_n3A, %add3A_59 : vector<16xi32>
      tpu.vector_store_idx %arg13[%add3A_60], %gather3A_57 {add = true} : memref<40448xf32, #tpu.memory_space<vmem>>[vector<16xi32>], vector<16xf32>,
      %gather3A_61 = tpu.vector_load_idx %arg12[%broadcast_in_dim3A_56, %get3A_22] : memref<3x10016xf32, #tpu.memory_space<vmem>>[vector<16xi32>, vector<16xi32>], vector<16xf32>,
      %add3A_62 = arith.constant 20224 : i32
      %add3A_63 = vector.broadcast %add3A_62 : i32 to vector<16xi32>
      %add3A_64 = arith.addi %select_n3A_35, %add3A_63 : vector<16xi32>
      tpu.vector_store_idx %arg13[%add3A_64], %gather3A_61 {add = true} : memref<40448xf32, #tpu.memory_space<vmem>>[vector<16xi32>], vector<16xf32>,
      %add3A_65 = arith.constant 30336 : i32
      %add3A_66 = vector.broadcast %add3A_65 : i32 to vector<16xi32>
      %add3A_67 = arith.addi %select_n3A, %add3A_66 : vector<16xi32>
      tpu.vector_store_idx %arg13[%add3A_67], %broadcast_in_dim3A_9 {add = true} : memref<40448xf32, #tpu.memory_space<vmem>>[vector<16xi32>], vector<16xf32>,
      %add3A_68 = arith.constant 30336 : i32
      %add3A_69 = vector.broadcast %add3A_68 : i32 to vector<16xi32>
      %add3A_70 = arith.addi %select_n3A_35, %add3A_69 : vector<16xi32>
      tpu.vector_store_idx %arg13[%add3A_70], %broadcast_in_dim3A_9 {add = true} : memref<40448xf32, #tpu.memory_space<vmem>>[vector<16xi32>], vector<16xf32>,
    }
    %scan3A_14 = arith.constant 120 : i32
    "tpu.region"() ({
      %run_scoped3A = tpu.sem_alloc : memref<!tpu.dma_semaphore, #tpu.memory_space<semaphore_mem>>
      %dma_start3A_15 = arith.constant 0 : i32
      %dma_start3A_16 = tpu.memref_slice %arg7[%add3A, %dma_start3A_15] : memref<32x40448xf32, #tpu.memory_space<hbm>> -> memref<1x40448xf32, #tpu.memory_space<hbm>>
      %dma_start3A_17 = tpu.memref_squeeze %dma_start3A_16 : memref<1x40448xf32, #tpu.memory_space<hbm>> -> memref<40448xf32, #tpu.memory_space<hbm>>
      %dma_start3A_18 = arith.constant 0 : i32
      %dma_start3A_19 = tpu.memref_slice %arg7[%add3A, %dma_start3A_18] : memref<32x40448xf32, #tpu.memory_space<hbm>> -> memref<1x40448xf32, #tpu.memory_space<hbm>>
      %dma_start3A_20 = tpu.memref_squeeze %dma_start3A_19 : memref<1x40448xf32, #tpu.memory_space<hbm>> -> memref<40448xf32, #tpu.memory_space<hbm>>
      tpu.enqueue_dma source(%arg13 : memref<40448xf32, #tpu.memory_space<vmem>>) target(%dma_start3A_20 : memref<40448xf32, #tpu.memory_space<hbm>>) target_semaphore(%run_scoped3A : memref<!tpu.dma_semaphore, #tpu.memory_space<semaphore_mem>>)
      %dma_wait3A_21 = arith.constant 0 : i32
      %dma_wait3A_22 = tpu.memref_slice %arg7[%add3A, %dma_wait3A_21] : memref<32x40448xf32, #tpu.memory_space<hbm>> -> memref<1x40448xf32, #tpu.memory_space<hbm>>
      %dma_wait3A_23 = tpu.memref_squeeze %dma_wait3A_22 : memref<1x40448xf32, #tpu.memory_space<hbm>> -> memref<40448xf32, #tpu.memory_space<hbm>>
      %dma_wait3A_24 = arith.constant 0 : i32
      %dma_wait3A_25 = tpu.memref_slice %arg7[%add3A, %dma_wait3A_24] : memref<32x40448xf32, #tpu.memory_space<hbm>> -> memref<1x40448xf32, #tpu.memory_space<hbm>>
      %dma_wait3A_26 = tpu.memref_squeeze %dma_wait3A_25 : memref<1x40448xf32, #tpu.memory_space<hbm>> -> memref<40448xf32, #tpu.memory_space<hbm>>
      tpu.wait_dma2 semaphore(%run_scoped3A : memref<!tpu.dma_semaphore, #tpu.memory_space<semaphore_mem>>) src(%arg13 : memref<40448xf32, #tpu.memory_space<vmem>>) dst(%dma_wait3A_26 : memref<40448xf32, #tpu.memory_space<hbm>>)
      tpu.yield
    }) : () -> ()
    return
  }
}

module attributes {stable_mosaic.version = 14 : i64} {
  func.func @_k3_body(%arg0: memref<32x40448xf32, #tpu.memory_space<vmem>>, %arg1: memref<3x10112xf32, #tpu.memory_space<vmem>>, %arg2: memref<1x1xf32, #tpu.memory_space<vmem>>) attributes {dimension_semantics = [], scalar_prefetch = 0 : i64, scratch_operands = 0 : i64, tpu.core_type = #tpu.core_type<tc>} {
    %get3A = arith.constant 0 : index
    %get3A_0 = arith.constant 0 : index
    %get3A_1 = vector.load %arg0[%get3A, %get3A_0] : memref<32x40448xf32, #tpu.memory_space<vmem>>, vector<32x40448xf32>
    %reduce_sum3A = arith.constant dense<0.000000e+00> : vector<40448xf32>
    %reduce_sum3A_2 = vector.multi_reduction <add>, %get3A_1, %reduce_sum3A [0] : vector<32x40448xf32> to vector<40448xf32>
    %broadcast_in_dim3A = vector.shape_cast %reduce_sum3A_2 : vector<40448xf32> to vector<1x40448xf32>
    %slice3A = vector.extract_strided_slice %broadcast_in_dim3A {offsets = [0, 30336], sizes = [1, 10112], strides = [1, 1]} : vector<1x40448xf32> to vector<1x10112xf32>
    %iota3A = tpu.iota {dimensions = array<i32: 1>} : vector<1x10112xi32>
    %lt3A = arith.constant 10000 : i32
    %lt3A_3 = vector.broadcast %lt3A : i32 to vector<1x10112xi32>
    %lt3A_4 = arith.cmpi slt, %iota3A, %lt3A_3 : vector<1x10112xi32>
    %slice3A_5 = vector.extract_strided_slice %broadcast_in_dim3A {offsets = [0, 0], sizes = [1, 10112], strides = [1, 1]} : vector<1x40448xf32> to vector<1x10112xf32>
    %get3A_6 = arith.constant 0 : index
    %get3A_7 = arith.constant 0 : index
    %get3A_8 = vector.load %arg1[%get3A_6, %get3A_7] : memref<3x10112xf32, #tpu.memory_space<vmem>>, vector<1x10112xf32>
    %mul3A = arith.mulf %slice3A, %get3A_8 : vector<1x10112xf32>
    %sub3A = arith.subf %mul3A, %slice3A_5 : vector<1x10112xf32>
    %jit3A = arith.constant 0.000000e+00 : f32
    %broadcast_in_dim3A_9 = vector.broadcast %jit3A : f32 to vector<1x10112xf32>
    %select_n3A = arith.select %lt3A_4, %sub3A, %broadcast_in_dim3A_9 : vector<1x10112xi1>, vector<1x10112xf32>
    %mul3A_10 = arith.mulf %select_n3A, %select_n3A : vector<1x10112xf32>
    %reduce_sum3A_11 = vector.shape_cast %mul3A_10 : vector<1x10112xf32> to vector<1x1x10112xf32>
    %reduce_sum3A_12 = arith.constant dense<0.000000e+00> : vector<1xf32>
    %reduce_sum3A_13 = vector.multi_reduction <add>, %reduce_sum3A_11, %reduce_sum3A_12 [1, 2] : vector<1x1x10112xf32> to vector<1xf32>
    %reduce_sum3A_14 = vector.shape_cast %reduce_sum3A_13 : vector<1xf32> to vector<1x1x1xf32>
    %reduce_sum3A_15 = vector.extract %reduce_sum3A_14[0, 0, 0] : f32 from vector<1x1x1xf32>
    %add3A = arith.constant 0.000000e+00 : f32
    %add3A_16 = arith.addf %add3A, %reduce_sum3A_15 : f32
    %slice3A_17 = vector.extract_strided_slice %broadcast_in_dim3A {offsets = [0, 10112], sizes = [1, 10112], strides = [1, 1]} : vector<1x40448xf32> to vector<1x10112xf32>
    %get3A_18 = arith.constant 1 : index
    %get3A_19 = arith.constant 0 : index
    %get3A_20 = vector.load %arg1[%get3A_18, %get3A_19] : memref<3x10112xf32, #tpu.memory_space<vmem>>, vector<1x10112xf32>
    %mul3A_21 = arith.mulf %slice3A, %get3A_20 : vector<1x10112xf32>
    %sub3A_22 = arith.subf %mul3A_21, %slice3A_17 : vector<1x10112xf32>
    %jit3A_23 = arith.constant 0.000000e+00 : f32
    %broadcast_in_dim3A_24 = vector.broadcast %jit3A_23 : f32 to vector<1x10112xf32>
    %select_n3A_25 = arith.select %lt3A_4, %sub3A_22, %broadcast_in_dim3A_24 : vector<1x10112xi1>, vector<1x10112xf32>
    %mul3A_26 = arith.mulf %select_n3A_25, %select_n3A_25 : vector<1x10112xf32>
    %reduce_sum3A_27 = vector.shape_cast %mul3A_26 : vector<1x10112xf32> to vector<1x1x10112xf32>
    %reduce_sum3A_28 = arith.constant dense<0.000000e+00> : vector<1xf32>
    %reduce_sum3A_29 = vector.multi_reduction <add>, %reduce_sum3A_27, %reduce_sum3A_28 [1, 2] : vector<1x1x10112xf32> to vector<1xf32>
    %reduce_sum3A_30 = vector.shape_cast %reduce_sum3A_29 : vector<1xf32> to vector<1x1x1xf32>
    %reduce_sum3A_31 = vector.extract %reduce_sum3A_30[0, 0, 0] : f32 from vector<1x1x1xf32>
    %add3A_32 = arith.addf %add3A_16, %reduce_sum3A_31 : f32
    %slice3A_33 = vector.extract_strided_slice %broadcast_in_dim3A {offsets = [0, 20224], sizes = [1, 10112], strides = [1, 1]} : vector<1x40448xf32> to vector<1x10112xf32>
    %get3A_34 = arith.constant 2 : index
    %get3A_35 = arith.constant 0 : index
    %get3A_36 = vector.load %arg1[%get3A_34, %get3A_35] : memref<3x10112xf32, #tpu.memory_space<vmem>>, vector<1x10112xf32>
    %mul3A_37 = arith.mulf %slice3A, %get3A_36 : vector<1x10112xf32>
    %sub3A_38 = arith.subf %mul3A_37, %slice3A_33 : vector<1x10112xf32>
    %jit3A_39 = arith.constant 0.000000e+00 : f32
    %broadcast_in_dim3A_40 = vector.broadcast %jit3A_39 : f32 to vector<1x10112xf32>
    %select_n3A_41 = arith.select %lt3A_4, %sub3A_38, %broadcast_in_dim3A_40 : vector<1x10112xi1>, vector<1x10112xf32>
    %mul3A_42 = arith.mulf %select_n3A_41, %select_n3A_41 : vector<1x10112xf32>
    %reduce_sum3A_43 = vector.shape_cast %mul3A_42 : vector<1x10112xf32> to vector<1x1x10112xf32>
    %reduce_sum3A_44 = arith.constant dense<0.000000e+00> : vector<1xf32>
    %reduce_sum3A_45 = vector.multi_reduction <add>, %reduce_sum3A_43, %reduce_sum3A_44 [1, 2] : vector<1x1x10112xf32> to vector<1xf32>
    %reduce_sum3A_46 = vector.shape_cast %reduce_sum3A_45 : vector<1xf32> to vector<1x1x1xf32>
    %reduce_sum3A_47 = vector.extract %reduce_sum3A_46[0, 0, 0] : f32 from vector<1x1x1xf32>
    %add3A_48 = arith.addf %add3A_32, %reduce_sum3A_47 : f32
    %mul3A_49 = arith.constant 9.99999974E-6 : f32
    %mul3A_50 = arith.mulf %mul3A_49, %add3A_48 : f32
    %broadcast_in_dim3A_51 = vector.broadcast %mul3A_50 : f32 to vector<1x1xf32>
    %swap3A = arith.constant 0 : index
    %swap3A_52 = arith.constant 0 : index
    %swap3A_53 = vector.load %arg2[%swap3A, %swap3A_52] : memref<1x1xf32, #tpu.memory_space<vmem>>, vector<1x1xf32>
    tpu.vector_store %arg2[%swap3A, %swap3A_52], %broadcast_in_dim3A_51 {strides = array<i32>} : memref<1x1xf32, #tpu.memory_space<vmem>>, vector<1x1xf32>,
    return
  }
}

</mosaic_0001>

<sc_bundles>
// kernel: kernel.5.cloned.1.call-start
scs
__scs_entry_jumppad:
0x0: {  	(pc) =	sbr.rel $0x88, $3  }
0x1: {  	(tag) =	ssettag $0x0;
	lr =	simm.s32 $0x1  }
0x2: {  	[smem:$0x3F9F] =	sst lr;
	_ =	strace $0xD0000000  }
0x3: {  	_ = 	snop  }
0x4: {  	_ = 	snop  }
0x5: {  	_ = 	snop  }
0x6: {  	_ = 	snop  }
0x7: {  	_ = 	snop  }
__scs_overlays_trampoline_lowered:
0x8: {  	[smem:$0x3FAE] =	sst s0  }
0x9: {  	[smem:$0x3FAF] =	sst s1  }
0xa: {  	[smem:$0x3FB0] =	sst s2  }
0xb: {  	[smem:$0x3FB1] =	sst s3  }
0xc: {  	[smem:$0x3FB2] =	sst s4  }
0xd: {  	[smem:$0x3FB3] =	sst s5  }
0xe: {  	[smem:$0x3FB4] =	sst s6  }
0xf: {  	[smem:$0x3FB5] =	sst s7  }
0x10: {  	[smem:$0x3FB6] =	sst s8  }
0x11: {  	[smem:$0x3FB7] =	sst s9;
	s0 =	simm.s32 @!p0 $0x0  }
0x12: {  	s1 =	sld [smem:$0x3F9D];
	s0 =	simm.s32 @p0 $0x1  }
0x13: {  	[smem:$0x3FB8] =	sst s0;
	s0 =	simm.s32 @!p1 $0x0  }
0x14: {  	s2 =	sld [smem:$0x3F9C];
	s0 =	simm.s32 @p1 $0x1  }
0x15: {  	[smem:$0x3FB9] =	sst s0;
	s0 =	simm.s32 @!p2 $0x0  }
0x16: {  	s3 =	sld [smem:$0x3FDB];
	s0 =	simm.s32 @p2 $0x1  }
0x17: {  	s4 =	simm.s32 $0x1BF5;
	[smem:$0x3FBB] =	sst s0  }
0x18: {  	s0 =	sld [smem:$0x3F9E];
	_ =	swait.ge [sflag:s4], $0x0  }
0x19: {  	s7 =	sld [smem:$0x3F9F]  }
0x1a: {  	s8 =	sadd.s32 $0xFFFFE003, lr  }
0x1b: {  	s9 =	sadd.s32 $0xFFFFFEF7, lr;
	s5 =	simm.s32 $0xFFFFFFFF;
	p2 =	slt.u32 s8, $0xFFFFF086  }
0x1c: {  	p1 =	slt.u32 s9, $0xF7A;
	s5 =	simm.s32 @!p2 $0x0  }
0x1d: {  	s5 =	simm.s32 @p1 $0x1;
	p0 =	seq.s32 s7, s2  }
0x1e: {  	s7 =	smul.u32 @!p0 $0xF7A, s2;
	p2 =	seq.s32 @!p0 s5, $0x0  }
0x1f: {  	s9 =	smul.u32 $0xF7A, s1;
	s8 =	simm.s32 @!p0 $0x1BF5;
	p2 =	por !p2, p0  }
0x20: {  	[sflag:s8] =	ssyncset.s32 @!p0 $0xFFFFF086;
	s6 =	sadd.s32 @!p0 s3, s7;
	s7 =	simm.s32 @!p0 $0x108  }
0x21: {  	s3 =	sadd.s32 s3, s9;
	s6 =	sadd.s32 @!p0 $0x88, s6;
	s7 =	simm.s32 @p2 $0x1082  }
0x22: {  	[simem:s7], [sflag:s8] =	dma.local @!p0 [hbm:s6], $0xF7A  }
0x23: {  	s9 =	sor.u32 $0xD0000000, s2;
	s6 =	simm.s32 $0x108;
	_ =	swait.ge @!p0 [sflag:s8], $0x0  }
0x24: {  	s3 =	sadd.s32 $0x88, s3;
	s6 =	simm.s32 @!p1 $0x1082;
	[sflag:s4] =	ssyncset.s32 $0xFFFFF086  }
0x25: {  	[simem:s6], [sflag:s4] =	dma.local [hbm:s3], $0xF7A  }
0x26: {  	[smem:$0x3F9F] =	sst s1;
	(tag) =	ssettag s2;
	_ =	strace s9  }
0x27: {  	s1 =	sld [smem:$0x3FAF]  }
0x28: {  	s2 =	sld [smem:$0x3FB0]  }
0x29: {  	s4 =	sld [smem:$0x3FB2]  }
0x2a: {  	p0 =	seq.s32 s5, $0x0;
	s5 =	sld [smem:$0x3FB3]  }
0x2b: {  	s6 =	sld [smem:$0x3FB4]  }
0x2c: {  	s7 =	sld [smem:$0x3FB5]  }
0x2d: {  	s3 =	simm.s32 $0x108;
	s8 =	sld [smem:$0x3FB6]  }
0x2e: {  	s3 =	simm.s32 @!p0 $0x1082;
	s9 =	sld [smem:$0x3FB7]  }
0x2f: {  	lr =	sadd.s32 s0, s3;
	s0 =	sld [smem:$0x3FAE]  }
0x30: {  	s3 =	sld [smem:$0x3FB1]  }
0x31: {  	[smem:$0x3FBA] =	sst s10  }
0x32: {  	s10 =	sld [smem:$0x3FB8];
	_ =	sdelay $0x3  }
0x33: {  	p0 =	seq.s32 s10, $0x1;
	s10 =	sld [smem:$0x3FBA];
	_ =	sdelay $0x3  }
0x34: {  	[smem:$0x3FBA] =	sst s10  }
0x35: {  	s10 =	sld [smem:$0x3FB9];
	_ =	sdelay $0x3  }
0x36: {  	p1 =	seq.s32 s10, $0x1;
	s10 =	sld [smem:$0x3FBA];
	_ =	sdelay $0x3  }
0x37: {  	[smem:$0x3FBA] =	sst s10  }
0x38: {  	s10 =	sld [smem:$0x3FBB]  }
0x39: {  	_ = 	snop;
	(pc) =	sbr.ind lr, $3  }
0x3a: {  	_ = 	snop  }
0x3b: {  	_ = 	snop  }
0x3c: {  	p2 =	seq.s32 s10, $0x1;
	s10 =	sld [smem:$0x3FBA]  }
0x3d: {  	_ =	shalt  }
0x3e: {  	_ =	shalt  }
0x3f: {  	_ =	shalt  }
0x40: {  	_ =	shalt  }
0x41: {  	_ =	shalt  }
0x42: {  	_ =	shalt  }
0x43: {  	_ =	shalt  }
0x44: {  	_ =	shalt  }
0x45: {  	_ =	shalt  }
0x46: {  	_ =	shalt  }
0x47: {  	_ =	shalt  }
0x48: {  	_ =	shalt  }
0x49: {  	_ =	shalt  }
0x4a: {  	_ =	shalt  }
0x4b: {  	_ =	shalt  }
0x4c: {  	_ =	shalt  }
0x4d: {  	_ =	shalt  }
0x4e: {  	_ =	shalt  }
0x4f: {  	_ =	shalt  }
0x50: {  	_ =	shalt  }
0x51: {  	_ =	shalt  }
0x52: {  	_ =	shalt  }
0x53: {  	_ =	shalt  }
0x54: {  	_ =	shalt  }
0x55: {  	_ =	shalt  }
0x56: {  	_ =	shalt  }
0x57: {  	_ =	shalt  }
0x58: {  	_ =	shalt  }
0x59: {  	_ =	shalt  }
0x5a: {  	_ =	shalt  }
0x5b: {  	_ =	shalt  }
0x5c: {  	_ =	shalt  }
0x5d: {  	_ =	shalt  }
0x5e: {  	_ =	shalt  }
0x5f: {  	_ =	shalt  }
0x60: {  	_ =	shalt  }
0x61: {  	_ =	shalt  }
0x62: {  	_ =	shalt  }
0x63: {  	_ =	shalt  }
0x64: {  	_ =	shalt  }
0x65: {  	_ =	shalt  }
0x66: {  	_ =	shalt  }
0x67: {  	_ =	shalt  }
0x68: {  	_ =	shalt  }
0x69: {  	_ =	shalt  }
0x6a: {  	_ =	shalt  }
0x6b: {  	_ =	shalt  }
0x6c: {  	_ =	shalt  }
0x6d: {  	_ =	shalt  }
0x6e: {  	_ =	shalt  }
0x6f: {  	_ =	shalt  }
0x70: {  	_ =	shalt  }
0x71: {  	_ =	shalt  }
0x72: {  	_ =	shalt  }
0x73: {  	_ =	shalt  }
0x74: {  	_ =	shalt  }
0x75: {  	_ =	shalt  }
0x76: {  	_ =	shalt  }
0x77: {  	_ =	shalt  }
0x78: {  	_ =	shalt  }
0x79: {  	_ =	shalt  }
0x7a: {  	_ =	shalt  }
0x7b: {  	_ =	shalt  }
0x7c: {  	_ =	shalt  }
0x7d: {  	_ =	shalt  }
0x7e: {  	_ =	shalt  }
0x7f: {  	_ =	shalt  }
0x80: {  	_ =	shalt  }
0x81: {  	_ =	shalt  }
0x82: {  	_ =	shalt  }
0x83: {  	_ =	shalt  }
0x84: {  	_ =	shalt  }
0x85: {  	_ =	shalt  }
0x86: {  	_ =	shalt  }
0x87: {  	_ =	shalt  }
.Lfunc_end0:
.L_simem_size_0:
called_computation_lowered:
.L_overlay_start_0:
0x88: {  	s2 =	sld [smem:$0x3FD9]  }
0x89: {  	s3 =	sld [smem:$0x3FFE];
	_ =	sdelay $0x1  }
0x8a: {  	s1 =	srdreg.scid  }
0x8b: {  	s0 =	sand.u32 $0x1, s1  }
0x8c: {  	s16 =	sshll.u32 s0, $0xA;
	s2 =	sadd.s32 s3, s2  }
0x8d: {  	s2 =	sadd.s32 s2, s16  }
0x8e: {  	[smem:$0x3FC6] =	sst s2  }
0x8f: {  	_ = 	snop  }
0x90: {  	(tm) =	ssettm $0x1  }
0x91: {  	s17 =	sld [smem:$0x3FFB];
	_ =	sdelay $0x3  }
0x92: {  	_ =	strace s17  }
0x93: {  	s2 =	sld [smem:$0x3FFC];
	_ =	sdelay $0x3  }
0x94: {  	_ =	strace s2  }
0x95: {  	s2 =	sld [smem:$0x3FFD];
	_ =	sdelay $0x3  }
0x96: {  	_ =	strace s2  }
0x97: {  	_ =	strace $0x8FFFFFFF  }
0x98: {  	s18 =	sld [smem:$0x3FDB];
	_ =	sdelay $0x1  }
0x99: {  	s19 =	simm.s32 $_scs_section_size  }
0x9a: {  	s4 =	simm.s32 $_size__tile_overlayer_lowered;
	s5 =	simm.s32 $_tile_overlayer_lowered  }
0x9b: {  	s22 =	simm.s32 $0x1BFF;
	s21 =	sshll.u32 s5, $0x1;
	s2 =	sadd.s32 s19, s18  }
0x9c: {  	s6 =	simm.s32 $0x0;
	s20 =	sshll.u32 s4, $0x1;
	s4 =	sadd.s32 s21, s2  }
0x9d: {  	[timem:s6], [sflag:s22] =	dma.local [hbm:s4], s20  }
0x9e: {  	_ =	swait.ge [sflag:s22], s20  }
0x9f: {  	s3 =	ssub.s32 $0x0, s20;
	[sflag:s22] =	ssyncset.done $0x0  }
0xa0: {  	[sflag:s22] =	ssyncadd.s32 s3;
	_ =	sdelay $0x1  }
0xa1: {  	s23 =	simm.s32 $0x1B8B  }
0xa2: {  	_ =	swait.ge [sflag:s23], $0x1  }
0xa3: {  	[sflag:s23] =	ssyncset.done $0x0  }
0xa4: {  	s25 =	simm.s32 $0x1B8E;
	s24 =	sld [smem:$0x3FFE];
	[sflag:s23] =	ssyncadd.s32 $0xFFFFFFFF  }
0xa5: {  	s26 =	simm.s32 $execute0_lowered;
	[smem:$0x3FD2] =	sst s25  }
0xa6: {  	s4 =	sshll.u32 s26, $0x1;
	_ =	strace $0x80000046;
	[dreg:$0x1] =	wrdreg $0xFFFFFFFF  }
0xa7: {  	s28 =	simm.s32 $_size_execute0_lowered;
	s2 =	sadd.s32 s2, s4;
	[dreg:$0x0] =	wrdreg $0x0  }
0xa8: {  	s4 =	sshll.u32 s28, $0x1;
	[dreg:$0x2] =	wrdreg s2  }
0xa9: {  	[dreg:$0x3] =	wrdreg s4  }
0xaa: {  	[dreg:$0x4] =	wrdreg $0xC0  }
0xab: {  	_ =	task [dreg:s6], $0x5FFFF  }
0xac: {  	[dreg:$0x1] =	wrdreg $0xFFFFFFFF  }
0xad: {  	[dreg:$0x0] =	wrdreg $0x60  }
0xae: {  	[dreg:$0x2] =	wrdreg s24  }
0xaf: {  	[dreg:$0x3] =	wrdreg $0x9  }
0xb0: {  	_ =	task.clear_ibuf [dreg:s6], $0x4FFFF;
	_ =	strace $0x90000046  }
0xb1: {  	s29 =	simm.s32 $0x9;
	_ =	strace $0x80000048  }
0xb2: {  	_ =	swait.ge [sflag:s29], $0x1  }
0xb3: {  	[sflag:s29] =	ssyncadd.s32 $0xFFFFFFFF  }
0xb4: {  	_ =	strace $0x90000048  }
0xb5: {  	_ =	sfence  }
0xb6: {  	s30 =	sld [smem:$0x0];
	_ =	sdelay $0x2  }
0xb7: {  	s31 =	sshll.u32 s1, $0xD;
	s1 =	sshrl.u32 s1, $0x2  }
0xb8: {  	s3 =	sand.u32 $0x4000, s31;
	s1 =	sadd.s32 s1, s30  }
0xb9: {  	s0 =	sor.u32 s3, s0;
	s1 =	sshll.u32 s1, $0x11  }
0xba: {  	s0 =	sor.u32 s1, s0  }
0xbb: {  	s0 =	sadd.s32 $0x8F2B, s0  }
0xbc: {  	[sflag:s0] =	ssyncadd.remote.s32 $0x1  }
0xbd: {  	_ =	sfence.sel $0xFFFF  }
0xbe: {  	[dreg:$0x0] =	wrdreg $0xFFFFFFFF;
	(pc) =	sbr.abs _section_cstart, $3  }
0xbf: {  	[dreg:$0x1] =	wrdreg $0xFFFFFFFF  }
0xc0: {  	_ =	task.clear_ibuf [dreg:s6], $0x2FFFF;
	_ =	strace $0x9FFFFFFF  }
0xc1: {  	(tm) =	ssettm $0x7FFFFFFF  }
tec
execute0_lowered:
.L_overlay_start_1:
0x0: {  	(tag) =	ssettag $0x1  }
0x1: {  	s1 =	srdreg.scid;
	s0 =	stileid.u32  }
0x2: {  	s3 =	rddreg [dreg:$0x0];
	s2 =	simm.s32 $0x0;
	s10 =	simm.s32 $0x2  }
0x3: {  	s11 =	simm.s32 $0xF00;
	s12 =	simm.s32 $0x1680;
	s13 =	simm.s32 $0x0  }
0x4: {  	s4 =	sand.u32 $0x1, s1;
	s5 =	sshll.u32 s0, $0x1;
	s7 =	smul.u32 $0xF00, s0  }
0x5: {  	s5 =	sor.u32 s4, s5;
	s6 =	ssub.s32 $0x2, s4;
	s9 =	smul.u32 $0x780, s4  }
0x6: {  	[smem:$0x7FF] =	sst s2;
	s5 =	smul.u32 $0x780, s5;
	s8 =	sshrl.u32 s6, $0x1  }
0x7: {  	s1 =	rddreg [dreg:$0x1];
	_ =	strace $0x80000047;
	s6 =	ssub.s32 s6, s8  }
0x8: {  	s7 =	sadd.s32 s9, s7;
	s8 =	simm.s32 $0x780;
	s5 =	sshrl.u32 s5, $0x3  }
0x9: {  	s9 =	simm.s32 $0x1;
	s6 =	smax.u32 s6, $0x1;
	s5 =	sadd.s32 s5, s3  }
0xa: {  	v0 =	vlaneseq.u32;
	s3 =	sadd.s32 $0x4200, s3;
	s4 =	sadd.s32 $0x600, s5;
	s5 =	sadd.s32 $0x2400, s5  }
.LBB2_1:
0xb: {  	[tilespmem:s2], [sflag:$0x1] =	stream.linear.gather [hbm4b:s4+s2], $0x780, $0x38;
	[tilespmem:$0x1E00] =	vst v63  }
0xc: {  	s14 =	simm.s32 $0x40;
	s16 =	simm.s32 $0x0;
	s15 =	smov.u32 s7  }
0xd: {  	v1 =	vor.u32 s7, v0;
	[tilespmem:s8], [sflag:$0x2] =	stream.linear.gather [hbm4b:s5+s2], $0x780, $0x38;
	[tilespmem:$0x1E00] =	vst v63  }
.LBB2_2:
0xe: {  	p0 =	sne.s32 s14, $0x1DC0  }
0xf: {  	[tilespmem:s16+$0x1680] =	vst v1;
	s15 =	sadd.s32 $0x10, s15;
	s16 =	smov.u32 s14;
	s14 =	sadd.s32 $0x40, s14  }
.Ltmp0:
0x10: {  	(pc) =	sbr.rel @p0 .LBB2_2-.Ltmp0, $2  }
0x11: {  	_ =	sdelay $0x2  }
0x12: {  	v1 =	vor.u32 s15, v0;
	s16 =	sshra.s32 s16, $0x2  }
0x13: {  	[tilespmem:s16+$0x1680] =	vst v1  }
0x14: {  	_ =	swait.ge [sflag:s9], $0x780  }
0x15: {  	[sflag:s9] =	ssyncset.done $0x0  }
0x16: {  	[sflag:s9] =	ssyncadd.s32 $0xFFFFF880  }
0x17: {  	_ =	swait.ge [sflag:s10], $0x780  }
0x18: {  	[sflag:s10] =	ssyncset.done $0x0  }
0x19: {  	s14 =	simm.s32 $0x0;
	[sflag:s10] =	ssyncadd.s32 $0xFFFFF880  }
0x1a: {  	v2 =	vld [tilespmem:s14+$0x0]  }
0x1b: {  	v3 =	vld [tilespmem:s14+$0x780];
	_ =	sdelay $0x4  }
0x1c: {  	vm0 =	vgt.s32 v2, v3  }
0x1d: {  	s15 =	simm.s32 $0x10;
	v1 =	vsel vm0, v3, v2  }
0x1e: {  	v4 =	vmul.u32 $0x2710, v1;
	v1 =	vld [tilespmem:s15+$0x0]  }
0x1f: {  	v3 =	vsel vm0, v2, v3;
	v2 =	vld [tilespmem:s15+$0x780];
	_ =	sdelay $0x2  }
0x20: {  	s16 =	simm.s32 $0x80;
	v3 =	vadd.s32 v3, v4  }
.LBB2_4:
0x21: {  	[tilespmem:s14+$0xF00] =	vst v3;
	v3 =	vmov v1;
	s14 =	smov.u32 s15;
	s15 =	sshra.s32 s16, $0x2;
	p0 =	sne.s32 s16, $0x1DC0  }
.Ltmp1:
0x22: {  	s16 =	sadd.s32 $0x40, s16;
	v1 =	vld [tilespmem:s15+$0x0];
	vm0 =	vgt.s32 v3, v2;
	v4 =	vmov v2;
	(pc) =	sbr.rel @p0 .LBB2_4-.Ltmp1, $4  }
0x23: {  	v2 =	vld [tilespmem:s15+$0x780];
	v5 =	vsel vm0, v4, v3  }
0x24: {  	v5 =	vmul.u32 $0x2710, v5  }
0x25: {  	v3 =	vsel vm0, v3, v4  }
0x26: {  	v3 =	vadd.s32 v3, v5  }
0x27: {  	_ = 	snop  }
0x28: {  	vm0 =	vgt.s32 v1, v2  }
0x29: {  	v4 =	vsel vm0, v2, v1  }
0x2a: {  	v4 =	vmul.u32 $0x2710, v4  }
0x2b: {  	s13 =	sadd.s32 $0x1, s13;
	v1 =	vsel vm0, v1, v2  }
0x2c: {  	[tilespmem:s14+$0xF00] =	vst v3;
	p0 =	sne.s32 s13, s6;
	v1 =	vadd.s32 v1, v4  }
.Ltmp2:
0x2d: {  	[tilespmem:s15+$0xF00] =	vst v1;
	(pc) =	sbr.rel @p0 .LBB2_1-.Ltmp2, $4  }
0x2e: {  	[hbm4b:s3+s8] =	stream.indirect.scatter [tilespmem:s12], [sflag:$0x1], $0x1, s11, s8, $0xb8;
	[tilespmem:$0x1E00] =	vst v63  }
0x2f: {  	_ =	swait.ge [sflag:s9], $0x780  }
0x30: {  	[sflag:s9] =	ssyncset.done $0x0  }
0x31: {  	[sflag:s9] =	ssyncadd.s32 $0xFFFFF880  }
0x32: {  	_ =	sfence.sel $0x180000  }
0x33: {  	[bflag:$0x0] =	sbarrier.arrive $0xFFFF  }
0x34: {  	p0 =	sne.s32 s0, $0x0;
	_ =	strace $0x90000047  }
0x35: {  	s0 =	sadd.s32 @!p0 $0x100000, s1;
	[bflag:$0x2] =	sbarrier.arrive $0xFFFF  }
0x36: {  	[sflag:s0] =	ssyncadd.tile.s32 @!p0 $0x1;
	_ =	shalt  }
.Lfunc_end2:
_tile_overlayer_lowered:
.L_overlay_start_2:
0x37: {  	(tag) =	ssettag $0x2  }
0x38: {  	s0 =	rddreg [dreg:$0x0];
	s2 =	stileid.u32  }
0x39: {  	s1 =	rddreg [dreg:$0x1];
	p0 =	sne.s32 s2, $0x0  }
0x3a: {  	s3 =	rddreg [dreg:$0x2];
	[bflag:$0x3] =	sbarrier.arrive $0xFFFF;
	s2 =	simm.s32 @!p0 $0x1C03  }
0x3b: {  	[timem:s3], [sflag:s2] =	dma.local @!p0 [hbm:s0], s1  }
0x3c: {  	s0 =	simm.s32 @!p0 $0x3  }
0x3d: {  	_ =	swait.ge @!p0 [sflag:s0], s1  }
0x3e: {  	s1 =	ssub.s32 @!p0 $0x0, s1;
	[sflag:s0] =	ssyncset.done @!p0 $0x0  }
0x3f: {  	[sflag:s0] =	ssyncadd.s32 @!p0 s1  }
0x40: {  	[bflag:$0x3] =	sbarrier.arrive $0xFFFF  }
0x41: {  	_ =	shalt  }

// kernel: kernel.8.cloned.1.call-start
scs
__scs_entry_jumppad:
0x0: {  	(pc) =	sbr.rel $0x88, $3  }
0x1: {  	(tag) =	ssettag $0x0;
	lr =	simm.s32 $0x1  }
0x2: {  	[smem:$0x3F9F] =	sst lr;
	_ =	strace $0xD0000000  }
0x3: {  	_ = 	snop  }
0x4: {  	_ = 	snop  }
0x5: {  	_ = 	snop  }
0x6: {  	_ = 	snop  }
0x7: {  	_ = 	snop  }
__scs_overlays_trampoline_lowered:
0x8: {  	[smem:$0x3FAE] =	sst s0  }
0x9: {  	[smem:$0x3FAF] =	sst s1  }
0xa: {  	[smem:$0x3FB0] =	sst s2  }
0xb: {  	[smem:$0x3FB1] =	sst s3  }
0xc: {  	[smem:$0x3FB2] =	sst s4  }
0xd: {  	[smem:$0x3FB3] =	sst s5  }
0xe: {  	[smem:$0x3FB4] =	sst s6  }
0xf: {  	[smem:$0x3FB5] =	sst s7  }
0x10: {  	[smem:$0x3FB6] =	sst s8  }
0x11: {  	[smem:$0x3FB7] =	sst s9;
	s0 =	simm.s32 @!p0 $0x0  }
0x12: {  	s1 =	sld [smem:$0x3F9D];
	s0 =	simm.s32 @p0 $0x1  }
0x13: {  	[smem:$0x3FB8] =	sst s0;
	s0 =	simm.s32 @!p1 $0x0  }
0x14: {  	s2 =	sld [smem:$0x3F9C];
	s0 =	simm.s32 @p1 $0x1  }
0x15: {  	[smem:$0x3FB9] =	sst s0;
	s0 =	simm.s32 @!p2 $0x0  }
0x16: {  	s3 =	sld [smem:$0x3FDB];
	s0 =	simm.s32 @p2 $0x1  }
0x17: {  	s4 =	simm.s32 $0x1BF5;
	[smem:$0x3FBB] =	sst s0  }
0x18: {  	s0 =	sld [smem:$0x3F9E];
	_ =	swait.ge [sflag:s4], $0x0  }
0x19: {  	s7 =	sld [smem:$0x3F9F]  }
0x1a: {  	s8 =	sadd.s32 $0xFFFFE003, lr  }
0x1b: {  	s9 =	sadd.s32 $0xFFFFFEF7, lr;
	s5 =	simm.s32 $0xFFFFFFFF;
	p2 =	slt.u32 s8, $0xFFFFF086  }
0x1c: {  	p1 =	slt.u32 s9, $0xF7A;
	s5 =	simm.s32 @!p2 $0x0  }
0x1d: {  	s5 =	simm.s32 @p1 $0x1;
	p0 =	seq.s32 s7, s2  }
0x1e: {  	s7 =	smul.u32 @!p0 $0xF7A, s2;
	p2 =	seq.s32 @!p0 s5, $0x0  }
0x1f: {  	s9 =	smul.u32 $0xF7A, s1;
	s8 =	simm.s32 @!p0 $0x1BF5;
	p2 =	por !p2, p0  }
0x20: {  	[sflag:s8] =	ssyncset.s32 @!p0 $0xFFFFF086;
	s6 =	sadd.s32 @!p0 s3, s7;
	s7 =	simm.s32 @!p0 $0x108  }
0x21: {  	s3 =	sadd.s32 s3, s9;
	s6 =	sadd.s32 @!p0 $0x88, s6;
	s7 =	simm.s32 @p2 $0x1082  }
0x22: {  	[simem:s7], [sflag:s8] =	dma.local @!p0 [hbm:s6], $0xF7A  }
0x23: {  	s9 =	sor.u32 $0xD0000000, s2;
	s6 =	simm.s32 $0x108;
	_ =	swait.ge @!p0 [sflag:s8], $0x0  }
0x24: {  	s3 =	sadd.s32 $0x88, s3;
	s6 =	simm.s32 @!p1 $0x1082;
	[sflag:s4] =	ssyncset.s32 $0xFFFFF086  }
0x25: {  	[simem:s6], [sflag:s4] =	dma.local [hbm:s3], $0xF7A  }
0x26: {  	[smem:$0x3F9F] =	sst s1;
	(tag) =	ssettag s2;
	_ =	strace s9  }
0x27: {  	s1 =	sld [smem:$0x3FAF]  }
0x28: {  	s2 =	sld [smem:$0x3FB0]  }
0x29: {  	s4 =	sld [smem:$0x3FB2]  }
0x2a: {  	p0 =	seq.s32 s5, $0x0;
	s5 =	sld [smem:$0x3FB3]  }
0x2b: {  	s6 =	sld [smem:$0x3FB4]  }
0x2c: {  	s7 =	sld [smem:$0x3FB5]  }
0x2d: {  	s3 =	simm.s32 $0x108;
	s8 =	sld [smem:$0x3FB6]  }
0x2e: {  	s3 =	simm.s32 @!p0 $0x1082;
	s9 =	sld [smem:$0x3FB7]  }
0x2f: {  	lr =	sadd.s32 s0, s3;
	s0 =	sld [smem:$0x3FAE]  }
0x30: {  	s3 =	sld [smem:$0x3FB1]  }
0x31: {  	[smem:$0x3FBA] =	sst s10  }
0x32: {  	s10 =	sld [smem:$0x3FB8];
	_ =	sdelay $0x3  }
0x33: {  	p0 =	seq.s32 s10, $0x1;
	s10 =	sld [smem:$0x3FBA];
	_ =	sdelay $0x3  }
0x34: {  	[smem:$0x3FBA] =	sst s10  }
0x35: {  	s10 =	sld [smem:$0x3FB9];
	_ =	sdelay $0x3  }
0x36: {  	p1 =	seq.s32 s10, $0x1;
	s10 =	sld [smem:$0x3FBA];
	_ =	sdelay $0x3  }
0x37: {  	[smem:$0x3FBA] =	sst s10  }
0x38: {  	s10 =	sld [smem:$0x3FBB]  }
0x39: {  	_ = 	snop;
	(pc) =	sbr.ind lr, $3  }
0x3a: {  	_ = 	snop  }
0x3b: {  	_ = 	snop  }
0x3c: {  	p2 =	seq.s32 s10, $0x1;
	s10 =	sld [smem:$0x3FBA]  }
0x3d: {  	_ =	shalt  }
0x3e: {  	_ =	shalt  }
0x3f: {  	_ =	shalt  }
0x40: {  	_ =	shalt  }
0x41: {  	_ =	shalt  }
0x42: {  	_ =	shalt  }
0x43: {  	_ =	shalt  }
0x44: {  	_ =	shalt  }
0x45: {  	_ =	shalt  }
0x46: {  	_ =	shalt  }
0x47: {  	_ =	shalt  }
0x48: {  	_ =	shalt  }
0x49: {  	_ =	shalt  }
0x4a: {  	_ =	shalt  }
0x4b: {  	_ =	shalt  }
0x4c: {  	_ =	shalt  }
0x4d: {  	_ =	shalt  }
0x4e: {  	_ =	shalt  }
0x4f: {  	_ =	shalt  }
0x50: {  	_ =	shalt  }
0x51: {  	_ =	shalt  }
0x52: {  	_ =	shalt  }
0x53: {  	_ =	shalt  }
0x54: {  	_ =	shalt  }
0x55: {  	_ =	shalt  }
0x56: {  	_ =	shalt  }
0x57: {  	_ =	shalt  }
0x58: {  	_ =	shalt  }
0x59: {  	_ =	shalt  }
0x5a: {  	_ =	shalt  }
0x5b: {  	_ =	shalt  }
0x5c: {  	_ =	shalt  }
0x5d: {  	_ =	shalt  }
0x5e: {  	_ =	shalt  }
0x5f: {  	_ =	shalt  }
0x60: {  	_ =	shalt  }
0x61: {  	_ =	shalt  }
0x62: {  	_ =	shalt  }
0x63: {  	_ =	shalt  }
0x64: {  	_ =	shalt  }
0x65: {  	_ =	shalt  }
0x66: {  	_ =	shalt  }
0x67: {  	_ =	shalt  }
0x68: {  	_ =	shalt  }
0x69: {  	_ =	shalt  }
0x6a: {  	_ =	shalt  }
0x6b: {  	_ =	shalt  }
0x6c: {  	_ =	shalt  }
0x6d: {  	_ =	shalt  }
0x6e: {  	_ =	shalt  }
0x6f: {  	_ =	shalt  }
0x70: {  	_ =	shalt  }
0x71: {  	_ =	shalt  }
0x72: {  	_ =	shalt  }
0x73: {  	_ =	shalt  }
0x74: {  	_ =	shalt  }
0x75: {  	_ =	shalt  }
0x76: {  	_ =	shalt  }
0x77: {  	_ =	shalt  }
0x78: {  	_ =	shalt  }
0x79: {  	_ =	shalt  }
0x7a: {  	_ =	shalt  }
0x7b: {  	_ =	shalt  }
0x7c: {  	_ =	shalt  }
0x7d: {  	_ =	shalt  }
0x7e: {  	_ =	shalt  }
0x7f: {  	_ =	shalt  }
0x80: {  	_ =	shalt  }
0x81: {  	_ =	shalt  }
0x82: {  	_ =	shalt  }
0x83: {  	_ =	shalt  }
0x84: {  	_ =	shalt  }
0x85: {  	_ =	shalt  }
0x86: {  	_ =	shalt  }
0x87: {  	_ =	shalt  }
.Lfunc_end0:
.L_simem_size_0:
called_computation.1_lowered:
.L_overlay_start_0:
0x88: {  	s2 =	sld [smem:$0x3FD9]  }
0x89: {  	s3 =	sld [smem:$0x3FFE];
	_ =	sdelay $0x1  }
0x8a: {  	s1 =	srdreg.scid  }
0x8b: {  	s0 =	sand.u32 $0x1, s1  }
0x8c: {  	s16 =	sshll.u32 s0, $0xA;
	s2 =	sadd.s32 s3, s2  }
0x8d: {  	s2 =	sadd.s32 s2, s16  }
0x8e: {  	[smem:$0x3FC6] =	sst s2  }
0x8f: {  	_ = 	snop  }
0x90: {  	(tm) =	ssettm $0x1  }
0x91: {  	s17 =	sld [smem:$0x3FFB];
	_ =	sdelay $0x3  }
0x92: {  	_ =	strace s17  }
0x93: {  	s2 =	sld [smem:$0x3FFC];
	_ =	sdelay $0x3  }
0x94: {  	_ =	strace s2  }
0x95: {  	s2 =	sld [smem:$0x3FFD];
	_ =	sdelay $0x3  }
0x96: {  	_ =	strace s2  }
0x97: {  	_ =	strace $0x8FFFFFFF  }
0x98: {  	s18 =	sld [smem:$0x3FDB];
	_ =	sdelay $0x1  }
0x99: {  	s19 =	simm.s32 $_scs_section_size  }
0x9a: {  	s4 =	simm.s32 $_size__tile_overlayer_lowered;
	s5 =	simm.s32 $_tile_overlayer_lowered  }
0x9b: {  	s22 =	simm.s32 $0x1BFF;
	s21 =	sshll.u32 s5, $0x1;
	s2 =	sadd.s32 s19, s18  }
0x9c: {  	s6 =	simm.s32 $0x0;
	s20 =	sshll.u32 s4, $0x1;
	s4 =	sadd.s32 s21, s2  }
0x9d: {  	[timem:s6], [sflag:s22] =	dma.local [hbm:s4], s20  }
0x9e: {  	_ =	swait.ge [sflag:s22], s20  }
0x9f: {  	s3 =	ssub.s32 $0x0, s20;
	[sflag:s22] =	ssyncset.done $0x0  }
0xa0: {  	[sflag:s22] =	ssyncadd.s32 s3;
	_ =	sdelay $0x1  }
0xa1: {  	s23 =	simm.s32 $0x1B8B  }
0xa2: {  	_ =	swait.ge [sflag:s23], $0x1  }
0xa3: {  	[sflag:s23] =	ssyncset.done $0x0  }
0xa4: {  	s25 =	simm.s32 $0x1B8E;
	s24 =	sld [smem:$0x3FFE];
	[sflag:s23] =	ssyncadd.s32 $0xFFFFFFFF  }
0xa5: {  	s26 =	simm.s32 $execute0_lowered;
	[smem:$0x3FD2] =	sst s25  }
0xa6: {  	s4 =	sshll.u32 s26, $0x1;
	_ =	strace $0x80000049;
	[dreg:$0x1] =	wrdreg $0xFFFFFFFF  }
0xa7: {  	s28 =	simm.s32 $_size_execute0_lowered;
	s2 =	sadd.s32 s2, s4;
	[dreg:$0x0] =	wrdreg $0x0  }
0xa8: {  	s4 =	sshll.u32 s28, $0x1;
	[dreg:$0x2] =	wrdreg s2  }
0xa9: {  	[dreg:$0x3] =	wrdreg s4  }
0xaa: {  	[dreg:$0x4] =	wrdreg $0xC0  }
0xab: {  	_ =	task [dreg:s6], $0x5FFFF  }
0xac: {  	[dreg:$0x1] =	wrdreg $0xFFFFFFFF  }
0xad: {  	[dreg:$0x0] =	wrdreg $0x60  }
0xae: {  	[dreg:$0x2] =	wrdreg s24  }
0xaf: {  	[dreg:$0x3] =	wrdreg $0x9  }
0xb0: {  	_ =	task.clear_ibuf [dreg:s6], $0x4FFFF;
	_ =	strace $0x90000049  }
0xb1: {  	s29 =	simm.s32 $0x9;
	_ =	strace $0x8000004B  }
0xb2: {  	_ =	swait.ge [sflag:s29], $0x1  }
0xb3: {  	[sflag:s29] =	ssyncadd.s32 $0xFFFFFFFF  }
0xb4: {  	_ =	strace $0x9000004B  }
0xb5: {  	_ =	sfence  }
0xb6: {  	s30 =	sld [smem:$0x0];
	_ =	sdelay $0x2  }
0xb7: {  	s31 =	sshll.u32 s1, $0xD;
	s1 =	sshrl.u32 s1, $0x2  }
0xb8: {  	s3 =	sand.u32 $0x4000, s31;
	s1 =	sadd.s32 s1, s30  }
0xb9: {  	s0 =	sor.u32 s3, s0;
	s1 =	sshll.u32 s1, $0x11  }
0xba: {  	s0 =	sor.u32 s1, s0  }
0xbb: {  	s0 =	sadd.s32 $0x8F2B, s0  }
0xbc: {  	[sflag:s0] =	ssyncadd.remote.s32 $0x1  }
0xbd: {  	_ =	sfence.sel $0xFFFF  }
0xbe: {  	[dreg:$0x0] =	wrdreg $0xFFFFFFFF;
	(pc) =	sbr.abs _section_cstart, $3  }
0xbf: {  	[dreg:$0x1] =	wrdreg $0xFFFFFFFF  }
0xc0: {  	_ =	task.clear_ibuf [dreg:s6], $0x2FFFF;
	_ =	strace $0x9FFFFFFF  }
0xc1: {  	(tm) =	ssettm $0x7FFFFFFF  }
tec
execute0_lowered:
.L_overlay_start_1:
0x0: {  	(tag) =	ssettag $0x1  }
0x1: {  	s1 =	srdreg.scid  }
0x2: {  	s0 =	stileid.u32;
	s6 =	rddreg [dreg:$0x0]  }
0x3: {  	s2 =	simm.s32 $0x0;
	s13 =	simm.s32 $0xF00;
	s14 =	simm.s32 $0x1680  }
0x4: {  	s15 =	simm.s32 $0x1E00;
	s16 =	simm.s32 $0x9360;
	s17 =	simm.s32 $0x1  }
0x5: {  	s18 =	simm.s32 $0x0;
	s7 =	sand.u32 $0x1, s1;
	s30 =	sshll.u32 s0, $0x1  }
0x6: {  	s1 =	rddreg [dreg:$0x1];
	s11 =	smul.u32 $0xF00, s0;
	s4 =	sor.u32 s7, s30  }
0x7: {  	[smem:$0x7FF] =	sst s2;
	s5 =	sadd.s32 $0xBF2A00, s6;
	s3 =	smul.u32 $0x780, s4  }
0x8: {  	_ =	strace $0x8000004A;
	s10 =	ssub.s32 $0x2, s7;
	s12 =	smul.u32 $0x780, s7  }
0x9: {  	s9 =	smul.u32 $0x13C0, s4;
	s31 =	sshrl.u32 s10, $0x1;
	s3 =	sshrl.u32 s3, $0x3  }
0xa: {  	s4 =	sadd.s32 $0xBF1A00, s6;
	s10 =	ssub.s32 s10, s31;
	s8 =	sadd.s32 s3, s6  }
0xb: {  	s9 =	sadd.s32 s9, s6;
	s3 =	sadd.s32 $0x4200, s6;
	s6 =	sadd.s32 $0x600, s8  }
0xc: {  	s7 =	sadd.s32 $0x2400, s8;
	s8 =	sadd.s32 $0xBF3E00, s9;
	s9 =	smax.u32 s10, $0x1  }
0xd: {  	v0 =	vlaneseq.u32;
	v1 =	vimm.f32 $1.000000000e+00;
	s10 =	sadd.s32 s12, s11;
	s11 =	simm.s32 $0x2;
	s12 =	simm.s32 $0x780  }
.LBB2_1:
0xe: {  	[tilespmem:s2], [sflag:$0x2] =	stream.linear.gather [hbm4b:s6+s2], $0x780, $0x38;
	[tilespmem:$0x13160] =	vst v63  }
0xf: {  	_ =	swait.ge [sflag:s11], $0x780  }
0x10: {  	[sflag:s11] =	ssyncset.done $0x0  }
0x11: {  	[sflag:s11] =	ssyncadd.s32 $0xFFFFF880  }
0x12: {  	[tilespmem:s12], [sflag:$0x2] =	stream.linear.gather [hbm4b:s7+s2], $0x780, $0x38;
	[tilespmem:$0x13160] =	vst v63  }
0x13: {  	_ =	swait.ge [sflag:s11], $0x780  }
0x14: {  	[sflag:s11] =	ssyncset.done $0x0  }
0x15: {  	s19 =	simm.s32 $0x0;
	[sflag:s11] =	ssyncadd.s32 $0xFFFFF880  }
0x16: {  	v3 =	vld [tilespmem:s19+$0x0]  }
0x17: {  	v4 =	vld [tilespmem:s19+$0x780];
	_ =	sdelay $0x4  }
0x18: {  	vm0 =	vgt.s32 v3, v4  }
0x19: {  	s20 =	simm.s32 $0x10;
	v2 =	vsel vm0, v4, v3  }
0x1a: {  	v5 =	vmul.u32 $0x2710, v2;
	v2 =	vld [tilespmem:s20+$0x0]  }
0x1b: {  	v4 =	vsel vm0, v3, v4;
	v3 =	vld [tilespmem:s20+$0x780];
	_ =	sdelay $0x2  }
0x1c: {  	s21 =	simm.s32 $0x80;
	v4 =	vadd.s32 v4, v5  }
.LBB2_2:
0x1d: {  	[tilespmem:s19+$0xF00] =	vst v4;
	v4 =	vmov v2;
	s19 =	smov.u32 s20;
	s20 =	sshra.s32 s21, $0x2;
	p0 =	sne.s32 s21, $0x1DC0  }
.Ltmp0:
0x1e: {  	s21 =	sadd.s32 $0x40, s21;
	v2 =	vld [tilespmem:s20+$0x0];
	vm0 =	vgt.s32 v4, v3;
	v5 =	vmov v3;
	(pc) =	sbr.rel @p0 .LBB2_2-.Ltmp0, $4  }
0x1f: {  	v3 =	vld [tilespmem:s20+$0x780];
	v6 =	vsel vm0, v5, v4  }
0x20: {  	v6 =	vmul.u32 $0x2710, v6  }
0x21: {  	v4 =	vsel vm0, v4, v5  }
0x22: {  	v4 =	vadd.s32 v4, v6  }
0x23: {  	_ = 	snop  }
0x24: {  	vm0 =	vgt.s32 v2, v3  }
0x25: {  	v5 =	vsel vm0, v3, v2  }
0x26: {  	v5 =	vmul.u32 $0x2710, v5  }
0x27: {  	v2 =	vsel vm0, v2, v3  }
0x28: {  	[tilespmem:s19+$0xF00] =	vst v4;
	v2 =	vadd.s32 v2, v5  }
0x29: {  	[tilespmem:s20+$0xF00] =	vst v2  }
0x2a: {  	[tilespmem:s14], [sflag:$0x1] =	stream.indirect.gather [hbm4b:s3+s12], $0x1, s13, s12, $0xb8;
	[tilespmem:$0x13160] =	vst v63  }
0x2b: {  	s30 =	simm.s32 $0x0  }
0x2c: {  	[tilespmem:s15], [sflag:$0x2] =	stream.linear.gather [hbm4b:s4+s30], $0x7560, $0x38;
	[tilespmem:$0x13160] =	vst v63  }
0x2d: {  	_ =	swait.ge [sflag:s11], $0x7560  }
0x2e: {  	[sflag:s11] =	ssyncset.done $0x0  }
0x2f: {  	[sflag:s11] =	ssyncadd.s32 $0xFFFF8AA0  }
0x30: {  	[tilespmem:s16], [sflag:$0x2] =	stream.linear.gather [hbm4b:s5+s30], $0x9E00, $0x38;
	[tilespmem:$0x13160] =	vst v63  }
0x31: {  	_ =	swait.ge [sflag:s11], $0x9E00  }
0x32: {  	[sflag:s11] =	ssyncset.done $0x0  }
0x33: {  	[sflag:s11] =	ssyncadd.s32 $0xFFFF6200  }
0x34: {  	_ =	swait.ge [sflag:s17], $0x780  }
0x35: {  	[sflag:s17] =	ssyncset.done $0x0  }
0x36: {  	s31 =	simm.s32 $0x0;
	[sflag:s17] =	ssyncadd.s32 $0xFFFFF880  }
0x37: {  	v2 =	vld [tilespmem:s31+$0x780];
	_ =	sdelay $0x1  }
0x38: {  	v3 =	vld [tilespmem:s31+$0x1680]  }
0x39: {  	v59 =	vld [tilespmem:s31+$0x0];
	_ =	sdelay $0x2  }
0x3a: {  	v60 =	vor.u32 s10, v0  }
0x3b: {  	vm15 =	veq.s32 v3, v60  }
0x3c: {  	v5 =	vnsel vm15, $0x2710, v59;
	v3 =	vld.idx.msk [tilespmem:v2+s15+$0x0], $0xffff;
	_ =	sdelay $0x3  }
0x3d: {  	vm1 =	vne.s32 v59, v2  }
0x3e: {  	vm0 =	vmand vm1, vm15;
	[tilespmem:v5+s16+$0x0] =	vst.idx.add.f32.msk $0xffff, v3  }
0x3f: {  	v6 =	vnsel vm0, $0x2710, v2;
	v3 =	vld.idx.msk [tilespmem:v59+s15+$0x0], $0xffff  }
0x40: {  	v7 =	vadd.s32 $0x2720, v2;
	_ =	sdelay $0x3  }
0x41: {  	[tilespmem:v6+s16+$0x0] =	vst.idx.add.f32.msk $0xffff, v3  }
0x42: {  	v61 =	vadd.s32 $0x2780, v5;
	v3 =	vld.idx.msk [tilespmem:v7+s15+$0x0], $0xffff  }
0x43: {  	v8 =	vadd.s32 $0x2720, v59;
	_ =	sdelay $0x3  }
0x44: {  	[tilespmem:v61+s16+$0x0] =	vst.idx.add.f32.msk $0xffff, v3  }
0x45: {  	v62 =	vadd.s32 $0x2780, v6;
	v3 =	vld.idx.msk [tilespmem:v8+s15+$0x0], $0xffff  }
0x46: {  	v2 =	vadd.s32 $0x4E40, v2;
	_ =	sdelay $0x3  }
0x47: {  	[tilespmem:v62+s16+$0x0] =	vst.idx.add.f32.msk $0xffff, v3  }
0x48: {  	v3 =	vadd.s32 $0x4F00, v5;
	v2 =	vld.idx.msk [tilespmem:v2+s15+$0x0], $0xffff  }
0x49: {  	v4 =	vadd.s32 $0x4E40, v59;
	_ =	sdelay $0x3  }
0x4a: {  	[tilespmem:v3+s16+$0x0] =	vst.idx.add.f32.msk $0xffff, v2  }
0x4b: {  	v3 =	vadd.s32 $0x4F00, v6;
	v2 =	vld.idx.msk [tilespmem:v4+s15+$0x0], $0xffff;
	_ =	sdelay $0x2  }
0x4c: {  	v63 =	vadd.s32 $0x7680, v5;
	_ =	sdelay $0x1  }
0x4d: {  	[tilespmem:v3+s16+$0x0] =	vst.idx.add.f32.msk $0xffff, v2;
	v2 =	vadd.s32 $0x7680, v6;
	_ =	sdelay $0x2  }
0x4e: {  	s22 =	simm.s32 $0x80;
	s19 =	smov.u32 s10;
	s20 =	simm.s32 $0x40;
	[tilespmem:v63+s16+$0x0] =	vst.idx.add.f32.msk $0xffff, v1  }
.LBB2_4:
0x4f: {  	s23 =	sshra.s32 s20, $0x2  }
0x50: {  	[tilespmem:v2+s16+$0x0] =	vst.idx.add.f32.msk $0xffff, v1;
	s19 =	sadd.s32 $0x10, s19;
	s20 =	smov.u32 s22;
	s21 =	sadd.s32 $0x40, s22  }
0x51: {  	p0 =	sne.s32 s22, $0x1DC0;
	v2 =	vld [tilespmem:s23+$0x780];
	_ =	sdelay $0x2  }
0x52: {  	v3 =	vld [tilespmem:s23+$0x1680]  }
0x53: {  	v4 =	vld [tilespmem:s23+$0x0];
	_ =	sdelay $0x2  }
0x54: {  	v5 =	vor.u32 s19, v0  }
0x55: {  	vm0 =	veq.s32 v3, v5;
	v3 =	vld.idx.msk [tilespmem:v2+s15+$0x0], $0xffff  }
0x56: {  	v5 =	vnsel vm0, $0x2710, v4;
	vm1 =	vne.s32 v4, v2  }
0x57: {  	vm0 =	vmand vm1, vm0;
	_ =	sdelay $0x3  }
0x58: {  	[tilespmem:v5+s16+$0x0] =	vst.idx.add.f32.msk $0xffff, v3  }
0x59: {  	v3 =	vld.idx.msk [tilespmem:v4+s15+$0x0], $0xffff  }
0x5a: {  	v6 =	vnsel vm0, $0x2710, v2  }
0x5b: {  	v7 =	vadd.s32 $0x2720, v2;
	_ =	sdelay $0x3  }
0x5c: {  	[tilespmem:v6+s16+$0x0] =	vst.idx.add.f32.msk $0xffff, v3  }
0x5d: {  	v3 =	vld.idx.msk [tilespmem:v7+s15+$0x0], $0xffff  }
0x5e: {  	v7 =	vadd.s32 $0x2780, v5  }
0x5f: {  	v8 =	vadd.s32 $0x2720, v4;
	_ =	sdelay $0x3  }
0x60: {  	[tilespmem:v7+s16+$0x0] =	vst.idx.add.f32.msk $0xffff, v3  }
0x61: {  	v3 =	vld.idx.msk [tilespmem:v8+s15+$0x0], $0xffff  }
0x62: {  	v7 =	vadd.s32 $0x2780, v6  }
0x63: {  	v2 =	vadd.s32 $0x4E40, v2;
	_ =	sdelay $0x3  }
0x64: {  	[tilespmem:v7+s16+$0x0] =	vst.idx.add.f32.msk $0xffff, v3  }
0x65: {  	v2 =	vld.idx.msk [tilespmem:v2+s15+$0x0], $0xffff  }
0x66: {  	v3 =	vadd.s32 $0x4F00, v5  }
0x67: {  	v4 =	vadd.s32 $0x4E40, v4;
	_ =	sdelay $0x3  }
0x68: {  	[tilespmem:v3+s16+$0x0] =	vst.idx.add.f32.msk $0xffff, v2  }
0x69: {  	v3 =	vld.idx.msk [tilespmem:v4+s15+$0x0], $0xffff  }
0x6a: {  	v4 =	vadd.s32 $0x4F00, v6  }
0x6b: {  	v5 =	vadd.s32 $0x7680, v5  }
.Ltmp1:
0x6c: {  	v2 =	vadd.s32 $0x7680, v6;
	(pc) =	sbr.rel @p0 .LBB2_4-.Ltmp1, $3  }
0x6d: {  	_ =	sdelay $0x1  }
0x6e: {  	[tilespmem:v4+s16+$0x0] =	vst.idx.add.f32.msk $0xffff, v3  }
0x6f: {  	s22 =	smov.u32 s21;
	[tilespmem:v5+s16+$0x0] =	vst.idx.add.f32.msk $0xffff, v1  }
0x70: {  	_ =	sdelay $0x3  }
0x71: {  	s20 =	sshra.s32 s20, $0x2;
	[tilespmem:v2+s16+$0x0] =	vst.idx.add.f32.msk $0xffff, v1  }
0x72: {  	v2 =	vld [tilespmem:s20+$0x780];
	_ =	sdelay $0x1  }
0x73: {  	v3 =	vld [tilespmem:s20+$0x1680]  }
0x74: {  	v4 =	vld [tilespmem:s20+$0x0];
	_ =	sdelay $0x1  }
0x75: {  	s19 =	sadd.s32 $0x10, s19  }
0x76: {  	v5 =	vor.u32 s19, v0  }
0x77: {  	vm0 =	veq.s32 v3, v5  }
0x78: {  	v5 =	vnsel vm0, $0x2710, v4;
	v3 =	vld.idx.msk [tilespmem:v2+s15+$0x0], $0xffff;
	_ =	sdelay $0x3  }
0x79: {  	vm1 =	vne.s32 v4, v2  }
0x7a: {  	vm0 =	vmand vm1, vm0;
	[tilespmem:v5+s16+$0x0] =	vst.idx.add.f32.msk $0xffff, v3  }
0x7b: {  	v6 =	vnsel vm0, $0x2710, v2;
	v3 =	vld.idx.msk [tilespmem:v4+s15+$0x0], $0xffff  }
0x7c: {  	v7 =	vadd.s32 $0x2720, v2;
	_ =	sdelay $0x3  }
0x7d: {  	[tilespmem:v6+s16+$0x0] =	vst.idx.add.f32.msk $0xffff, v3  }
0x7e: {  	v60 =	vadd.s32 $0x2780, v5;
	v3 =	vld.idx.msk [tilespmem:v7+s15+$0x0], $0xffff  }
0x7f: {  	v8 =	vadd.s32 $0x2720, v4;
	_ =	sdelay $0x3  }
0x80: {  	[tilespmem:v60+s16+$0x0] =	vst.idx.add.f32.msk $0xffff, v3  }
0x81: {  	v61 =	vadd.s32 $0x2780, v6;
	v3 =	vld.idx.msk [tilespmem:v8+s15+$0x0], $0xffff  }
0x82: {  	v2 =	vadd.s32 $0x4E40, v2;
	_ =	sdelay $0x3  }
0x83: {  	[tilespmem:v61+s16+$0x0] =	vst.idx.add.f32.msk $0xffff, v3  }
0x84: {  	v3 =	vadd.s32 $0x4F00, v5;
	v2 =	vld.idx.msk [tilespmem:v2+s15+$0x0], $0xffff  }
0x85: {  	v4 =	vadd.s32 $0x4E40, v4;
	_ =	sdelay $0x3  }
0x86: {  	[tilespmem:v3+s16+$0x0] =	vst.idx.add.f32.msk $0xffff, v2  }
0x87: {  	v3 =	vadd.s32 $0x4F00, v6;
	v2 =	vld.idx.msk [tilespmem:v4+s15+$0x0], $0xffff  }
0x88: {  	v62 =	vadd.s32 $0x7680, v5  }
0x89: {  	v63 =	vadd.s32 $0x7680, v6;
	_ =	sdelay $0x2  }
0x8a: {  	s18 =	sadd.s32 $0x1, s18;
	[tilespmem:v3+s16+$0x0] =	vst.idx.add.f32.msk $0xffff, v2  }
0x8b: {  	p0 =	sne.s32 s18, s9;
	[tilespmem:v62+s16+$0x0] =	vst.idx.add.f32.msk $0xffff, v1  }
.Ltmp2:
0x8c: {  	[tilespmem:v63+s16+$0x0] =	vst.idx.add.f32.msk $0xffff, v1;
	(pc) =	sbr.rel @p0 .LBB2_1-.Ltmp2, $4  }
0x8d: {  	[hbm4b:s8+s2] =	stream.linear.scatter [tilespmem:s16], [sflag:$0x2], $0x9E00, $0x38;
	[tilespmem:$0x13160] =	vst v63  }
0x8e: {  	_ =	swait.ge [sflag:s11], $0x9E00  }
0x8f: {  	[sflag:s11] =	ssyncset.done $0x0  }
0x90: {  	[sflag:s11] =	ssyncadd.s32 $0xFFFF6200  }
0x91: {  	_ =	sfence.sel $0x180000  }
0x92: {  	[bflag:$0x0] =	sbarrier.arrive $0xFFFF  }
0x93: {  	p0 =	sne.s32 s0, $0x0;
	_ =	strace $0x9000004A  }
0x94: {  	s0 =	sadd.s32 @!p0 $0x100000, s1;
	[bflag:$0x2] =	sbarrier.arrive $0xFFFF  }
0x95: {  	[sflag:s0] =	ssyncadd.tile.s32 @!p0 $0x1;
	_ =	shalt  }
.Lfunc_end2:
_tile_overlayer_lowered:
.L_overlay_start_2:
0x96: {  	(tag) =	ssettag $0x2  }
0x97: {  	s0 =	rddreg [dreg:$0x0];
	s2 =	stileid.u32  }
0x98: {  	s1 =	rddreg [dreg:$0x1];
	p0 =	sne.s32 s2, $0x0  }
0x99: {  	s3 =	rddreg [dreg:$0x2];
	[bflag:$0x3] =	sbarrier.arrive $0xFFFF;
	s2 =	simm.s32 @!p0 $0x1C02  }
0x9a: {  	[timem:s3], [sflag:s2] =	dma.local @!p0 [hbm:s0], s1  }
0x9b: {  	s0 =	simm.s32 @!p0 $0x2  }
0x9c: {  	_ =	swait.ge @!p0 [sflag:s0], s1  }
0x9d: {  	s1 =	ssub.s32 @!p0 $0x0, s1;
	[sflag:s0] =	ssyncset.done @!p0 $0x0  }
0x9e: {  	[sflag:s0] =	ssyncadd.s32 @!p0 s1  }
0x9f: {  	[bflag:$0x3] =	sbarrier.arrive $0xFFFF  }
0xa0: {  	_ =	shalt  }

</sc_bundles>
